<compile_context>
chip_gen: v7x
topology: tpu7x:2x2x1
jax: 0.10.2.dev20260603
libtpu: 0.0.44.dev20260713+nightly
codegen_flags: <defaults>
</compile_context>

<pallas_src>
import functools
import jax
import jax.numpy as jnp
from jax import lax
from jax.experimental import pallas as pl
from jax.experimental.pallas import tpu as pltpu
from jax.experimental.pallas import tpu_sc as plsc

N = 10000
E = 320000
D = 128
G = 64
NC = 2
NS = 16
NW = NC * NS
NP = 10240
RT = NP // NW
RZ = NP // NS
K = 128
CPT = -(-(E // NW) // K)
EPW = CPT * K
EP = NW * EPW
CH = 160

_mesh = plsc.VectorSubcoreMesh(core_axis_name="c", subcore_axis_name="s")


@functools.partial(
    pl.kernel,
    out_type=jax.ShapeDtypeStruct((NW, NP), jnp.float32),
    mesh=_mesh,
    scratch_types=[
        pltpu.VMEM((CPT, K), jnp.int32),
        pltpu.VMEM((NP,), jnp.float32),
    ],
    compiler_params=pltpu.CompilerParams(needs_layout_passes=False),
)
def _sc_degree(dst2d, zeros1d, out, dst_v, acc):
  cid = lax.axis_index("c")
  sid = lax.axis_index("s")
  w = cid * NS + sid
  pltpu.sync_copy(zeros1d, acc)
  pltpu.sync_copy(dst2d.at[w], dst_v)
  ones16 = jnp.ones((16,), jnp.float32)

  @pl.loop(0, CPT)
  def _(j):
    for c in range(8):
      idx = dst_v[j, pl.ds(c * 16, 16)]
      plsc.addupdate_scatter(acc, [idx], ones16)

  pltpu.sync_copy(acc, out.at[w])


@functools.partial(
    pl.kernel,
    out_type=jax.ShapeDtypeStruct((NC, NP, D), jnp.float32),
    mesh=_mesh,
    scratch_types=[
        pltpu.VMEM((CPT, K), jnp.int32),
        pltpu.VMEM((CPT, K), jnp.int32),
        pltpu.VMEM((K, D), jnp.float32),
        pltpu.VMEM_SHARED((NP, D), jnp.float32),
        pltpu.SemaphoreType.DMA,
    ],
)
def _sc_scatter(src2d, dst2d, y, zrows, out, src_v, dst_v, rows_v, acc, sem):
  cid = lax.axis_index("c")
  sid = lax.axis_index("s")
  w = cid * NS + sid
  pltpu.sync_copy(zrows, acc.at[pl.ds(sid * RZ, RZ)])
  pltpu.sync_copy(src2d.at[w], src_v)
  pltpu.sync_copy(dst2d.at[w], dst_v)
  plsc.subcore_barrier()

  @pl.loop(0, CPT)
  def _(j):
    pltpu.async_copy(y.at[src_v.at[j]], rows_v, sem).wait()
    pltpu.sync_copy(rows_v, acc.at[dst_v.at[j]], add=True)

  plsc.subcore_barrier()
  pltpu.sync_copy(acc.at[pl.ds(sid * RZ, RZ)],
                  out.at[cid, pl.ds(sid * RZ, RZ)])


@functools.partial(
    pl.kernel,
    out_type=jax.ShapeDtypeStruct((NW, G * D), jnp.float32),
    mesh=_mesh,
    scratch_types=[
        pltpu.VMEM((RT * D,), jnp.float32),
        pltpu.VMEM((G * D,), jnp.float32),
        pltpu.VMEM((RT,), jnp.int32),
    ],
    compiler_params=pltpu.CompilerParams(needs_layout_passes=False),
)
def _sc_segmax(h2, batch, zacc, out, h2_v, acc_v, batch_v):
  cid = lax.axis_index("c")
  sid = lax.axis_index("s")
  w = cid * NS + sid
  base = w * RT
  pltpu.sync_copy(zacc, acc_v)
  pltpu.sync_copy(h2.at[pl.ds(base * D, RT * D)], h2_v)
  pltpu.sync_copy(batch.at[pl.ds(base, RT)], batch_v)

  nrows = jnp.minimum(RT, jnp.maximum(N - base, 0))
  iotas = [lax.iota(jnp.int32, 16) + c * 16 for c in range(8)]

  @pl.loop(0, nrows)
  def _(i):
    gidv = plsc.load_gather(batch_v, [jnp.full((16,), 0, jnp.int32) + i])
    gbase = gidv * D
    for c in range(8):
      h = h2_v[pl.ds(i * D + c * 16, 16)]
      idx = gbase + iotas[c]
      g = plsc.load_gather(acc_v, [idx])
      plsc.store_scatter(acc_v, [idx], jnp.maximum(g, h))

  pltpu.sync_copy(acc_v, out.at[w])


def _tc_xw_body(x_ref, w_ref, hist_ref, y_ref, dinv_ref):
  deg = 1.0 + jnp.sum(hist_ref[...], axis=0)
  dinv = lax.rsqrt(jnp.maximum(deg, 1.0))
  y = jnp.dot(x_ref[...], w_ref[...], preferred_element_type=jnp.float32)
  y_ref[...] = y * dinv[:, None]
  dinv_ref[...] = dinv


def _tc_mid_body(p0_ref, p1_ref, y1_ref, dinv_ref, b_ref, w_ref, y2_ref):
  dinv = dinv_ref[...]
  t = (p0_ref[...] + p1_ref[...] + y1_ref[...]) * dinv[:, None] + b_ref[...]
  h = jnp.maximum(t, 0.0)
  y2 = jnp.dot(h, w_ref[...], preferred_element_type=jnp.float32)
  y2_ref[...] = y2 * dinv[:, None]


def _tc_h2_body(p0_ref, p1_ref, y2_ref, dinv_ref, b_ref, h2_ref):
  t = ((p0_ref[...] + p1_ref[...] + y2_ref[...]) * dinv_ref[...][:, None]
       + b_ref[...])
  h2_ref[...] = jnp.maximum(t, 0.0)


def _tc_head_body(gm_ref, fw1_ref, fb1_ref, fw2_ref, fb2_ref, out_ref):
  g = jnp.max(gm_ref[...], axis=0)
  z = jnp.maximum(
      jnp.dot(g, fw1_ref[...], preferred_element_type=jnp.float32)
      + fb1_ref[...], 0.0)
  logits = (jnp.dot(z, fw2_ref[...], preferred_element_type=jnp.float32)
            + fb2_ref[...])
  col = lax.broadcasted_iota(jnp.int32, logits.shape, 1)
  valid = col < 2
  neg = jnp.float32(-3.0e38)
  masked = jnp.where(valid, logits, neg)
  m = jnp.max(masked, axis=1, keepdims=True)
  s = jnp.sum(jnp.where(valid, jnp.exp(masked - m), 0.0), axis=1,
              keepdims=True)
  out_ref[...] = logits - (m + jnp.log(s))


BR = 2048


def _tc_xw(x, w, hist):
  grid = (NP // BR,)
  return pl.pallas_call(
      _tc_xw_body,
      grid=grid,
      in_specs=[
          pl.BlockSpec((BR, D), lambda i: (i, 0)),
          pl.BlockSpec((D, D), lambda i: (0, 0)),
          pl.BlockSpec((NW, BR), lambda i: (0, i)),
      ],
      out_specs=[
          pl.BlockSpec((BR, D), lambda i: (i, 0)),
          pl.BlockSpec((BR,), lambda i: (i,)),
      ],
      out_shape=[
          jax.ShapeDtypeStruct((NP, D), jnp.float32),
          jax.ShapeDtypeStruct((NP,), jnp.float32),
      ],
  )(x, w, hist)


def _tc_mid(p0, p1, y1, dinv, b, w):
  grid = (NP // BR,)
  return pl.pallas_call(
      _tc_mid_body,
      grid=grid,
      in_specs=[
          pl.BlockSpec((BR, D), lambda i: (i, 0)),
          pl.BlockSpec((BR, D), lambda i: (i, 0)),
          pl.BlockSpec((BR, D), lambda i: (i, 0)),
          pl.BlockSpec((BR,), lambda i: (i,)),
          pl.BlockSpec((D,), lambda i: (0,)),
          pl.BlockSpec((D, D), lambda i: (0, 0)),
      ],
      out_specs=pl.BlockSpec((BR, D), lambda i: (i, 0)),
      out_shape=jax.ShapeDtypeStruct((NP, D), jnp.float32),
  )(p0, p1, y1, dinv, b, w)


def _tc_h2(p0, p1, y2, dinv, b):
  grid = (NP // BR,)
  return pl.pallas_call(
      _tc_h2_body,
      grid=grid,
      in_specs=[
          pl.BlockSpec((BR, D), lambda i: (i, 0)),
          pl.BlockSpec((BR, D), lambda i: (i, 0)),
          pl.BlockSpec((BR, D), lambda i: (i, 0)),
          pl.BlockSpec((BR,), lambda i: (i,)),
          pl.BlockSpec((D,), lambda i: (0,)),
      ],
      out_specs=pl.BlockSpec((BR, D), lambda i: (i, 0)),
      out_shape=jax.ShapeDtypeStruct((NP, D), jnp.float32),
  )(p0, p1, y2, dinv, b)


def _tc_head(gm, fw1, fb1, fw2p, fb2p):
  return pl.pallas_call(
      _tc_head_body,
      out_shape=jax.ShapeDtypeStruct((G, D), jnp.float32),
  )(gm, fw1, fb1, fw2p, fb2p)


def kernel(x, edge_index, batch, W1, b1, W2, b2, fw1, fb1, fw2, fb2):
  f32 = jnp.float32
  x_pad = jnp.zeros((NP, D), f32).at[:N].set(x)
  src = jnp.full((EP,), N, jnp.int32).at[:E].set(edge_index[0].astype(jnp.int32))
  dst = jnp.full((EP,), N, jnp.int32).at[:E].set(edge_index[1].astype(jnp.int32))
  src2d = src.reshape(NW, CPT, K)
  dst2d = dst.reshape(NW, CPT, K)
  batch_pad = jnp.zeros((NP,), jnp.int32).at[:N].set(batch.astype(jnp.int32))

  zeros1d = jnp.zeros((NP,), f32)
  zrows = jnp.zeros((RZ, D), f32)
  zacc = jnp.zeros((G * D,), f32)

  hist = _sc_degree(dst2d, zeros1d)

  y1, dinv = _tc_xw(x_pad, W1, hist)
  p = _sc_scatter(src2d, dst2d, y1, zrows)
  y2 = _tc_mid(p[0], p[1], y1, dinv, b1, W2)
  p2 = _sc_scatter(src2d, dst2d, y2, zrows)
  h2 = _tc_h2(p2[0], p2[1], y2, dinv, b2)
  gm = _sc_segmax(h2.reshape(NP * D), batch_pad, zacc)
  out = _tc_head(gm.reshape(NW, G, D), fw1, fb1,
                 jnp.zeros((D, D), f32).at[:, :2].set(fw2),
                 jnp.zeros((D,), f32).at[:2].set(fb2))
  return out[:, :2]

# --- scband reference (transcript-rebuilt; emitter-appended) ---
"""Pipeline reference for scband-gcnmodel-36541581754800 (READ-ONLY COPY).

The authoritative reference and input builder live on the scoring server;
editing this copy changes nothing except your own understanding.
"""

import jax, jax.numpy as jnp
import numpy as np

N_NODES = 10000
N_EDGES = 320000
D_IN = 128
HIDDEN = 128
OUT_DIM = 2
NUM_GRAPHS = 64


def setup_inputs(seed: int = 0) -> dict:
    key = jax.random.key(seed)
    ks = jax.random.split(key, 12)
    x = jax.random.normal(ks[0], (N_NODES, D_IN), dtype=jnp.float32)
    edge_index = jax.random.randint(ks[1], (2, N_EDGES), 0, N_NODES)
    # sorted segment ids covering all graphs (every graph non-empty)
    rest = jax.random.randint(ks[2], (N_NODES - NUM_GRAPHS,), 0, NUM_GRAPHS)
    batch = jnp.sort(jnp.concatenate([jnp.arange(NUM_GRAPHS), rest]))
    W1 = jax.random.normal(ks[3], (D_IN, HIDDEN), dtype=jnp.float32) / np.sqrt(D_IN)
    b1 = jnp.zeros((HIDDEN,), dtype=jnp.float32)
    W2 = jax.random.normal(ks[4], (HIDDEN, HIDDEN), dtype=jnp.float32) / np.sqrt(HIDDEN)
    b2 = jnp.zeros((HIDDEN,), dtype=jnp.float32)
    fw1 = jax.random.normal(ks[5], (HIDDEN, HIDDEN), dtype=jnp.float32) / np.sqrt(HIDDEN)
    fb1 = jnp.zeros((HIDDEN,), dtype=jnp.float32)
    fw2 = jax.random.normal(ks[6], (HIDDEN, OUT_DIM), dtype=jnp.float32) / np.sqrt(HIDDEN)
    fb2 = jnp.zeros((OUT_DIM,), dtype=jnp.float32)
    return {"x": x, "edge_index": edge_index, "batch": batch,
            "W1": W1, "b1": b1, "W2": W2, "b2": b2,
            "fw1": fw1, "fb1": fb1, "fw2": fw2, "fb2": fb2}


def gcn_conv(x, edge_index, W, b):
    # GCNConv (Kipf & Welling): D^{-1/2} (A + I) D^{-1/2} X W + b
    n = x.shape[0]
    loop = jnp.arange(n)
    src = jnp.concatenate([edge_index[0], loop])
    dst = jnp.concatenate([edge_index[1], loop])
    deg = jnp.zeros((n,), dtype=x.dtype).at[dst].add(1.0)
    dinv = jax.lax.rsqrt(jnp.clip(deg, 1.0))
    xw = x @ W
    norm = (dinv[src] * dinv[dst])[:, None]
    msg = jnp.take(xw, src, axis=0) * norm
    out = jnp.zeros_like(xw).at[dst].add(msg)
    return out + b


def reference(x, edge_index, batch, W1, b1, W2, b2, fw1, fb1, fw2, fb2):
    h = jax.nn.relu(gcn_conv(x, edge_index, W1, b1))
    h = jax.nn.relu(gcn_conv(h, edge_index, W2, b2))
    g = jax.ops.segment_max(h, batch, num_segments=NUM_GRAPHS)
    z = jax.nn.relu(g @ fw1 + fb1)
    # dropout is identity in eval mode
    logits = z @ fw2 + fb2
    return jax.nn.log_softmax(logits, axis=1)

if __name__ == "__main__":
    import jax
    _d = setup_inputs()
    print(jax.jit(kernel)(*tuple(_d.values())))

</pallas_src>

<mosaic_0001>
#map = affine_map<(d0, d1) -> (0)>
#map1 = affine_map<(d0, d1) -> (0, 0)>
module attributes {stable_mosaic.version = 14 : i64} {
  func.func @_sc_segmax(%arg0: i32, %arg1: i32, %arg2: memref<1310720xf32, #tpu.memory_space<hbm>>, %arg3: memref<10240xi32, #tpu.memory_space<hbm>>, %arg4: memref<8192xf32, #tpu.memory_space<hbm>>, %arg5: memref<32x8192xf32, #tpu.memory_space<hbm>>, %arg6: memref<40960xf32, #tpu.memory_space<vmem>>, %arg7: memref<8192xf32, #tpu.memory_space<vmem>>, %arg8: memref<320xi32, #tpu.memory_space<vmem>>) attributes {dimension_semantics = [#tpu.dimension_semantics<core_parallel>, #tpu.dimension_semantics<subcore_parallel>], iteration_bounds = array<i64: 2, 16>, scalar_prefetch = 0 : i64, scratch_operands = 3 : i64, tpu.core_type = #tpu.core_type<sc_vector_subcore>, window_params = [{transform_indices = #map}, {transform_indices = #map}, {transform_indices = #map}, {transform_indices = #map1}]} {
    %mul3A = arith.constant 16 : i32
    %mul3A_0 = arith.muli %arg0, %mul3A : i32
    %add3A = arith.addi %mul3A_0, %arg1 : i32
    %mul3A_1 = arith.constant 320 : i32
    %mul3A_2 = arith.muli %add3A, %mul3A_1 : i32
    "tpu.region"() ({
      %run_scoped3A = tpu.sem_alloc : memref<!tpu.dma_semaphore, #tpu.memory_space<semaphore_mem>>
      tpu.enqueue_dma source(%arg4 : memref<8192xf32, #tpu.memory_space<hbm>>) target(%arg7 : memref<8192xf32, #tpu.memory_space<vmem>>) target_semaphore(%run_scoped3A : memref<!tpu.dma_semaphore, #tpu.memory_space<semaphore_mem>>)
      tpu.wait_dma2 semaphore(%run_scoped3A : memref<!tpu.dma_semaphore, #tpu.memory_space<semaphore_mem>>) src(%arg4 : memref<8192xf32, #tpu.memory_space<hbm>>) dst(%arg7 : memref<8192xf32, #tpu.memory_space<vmem>>)
      tpu.yield
    }) : () -> ()
    %mul3A_3 = arith.constant 128 : i32
    %mul3A_4 = arith.muli %mul3A_2, %mul3A_3 : i32
    "tpu.region"() ({
      %run_scoped3A = tpu.sem_alloc : memref<!tpu.dma_semaphore, #tpu.memory_space<semaphore_mem>>
      %dma_start3A = tpu.memref_slice %arg2[%mul3A_4] : memref<1310720xf32, #tpu.memory_space<hbm>> -> memref<40960xf32, #tpu.memory_space<hbm>>
      %dma_start3A_56 = tpu.memref_slice %arg2[%mul3A_4] : memref<1310720xf32, #tpu.memory_space<hbm>> -> memref<40960xf32, #tpu.memory_space<hbm>>
      tpu.enqueue_dma source(%dma_start3A_56 : memref<40960xf32, #tpu.memory_space<hbm>>) target(%arg6 : memref<40960xf32, #tpu.memory_space<vmem>>) target_semaphore(%run_scoped3A : memref<!tpu.dma_semaphore, #tpu.memory_space<semaphore_mem>>)
      %dma_wait3A = tpu.memref_slice %arg2[%mul3A_4] : memref<1310720xf32, #tpu.memory_space<hbm>> -> memref<40960xf32, #tpu.memory_space<hbm>>
      %dma_wait3A_57 = tpu.memref_slice %arg2[%mul3A_4] : memref<1310720xf32, #tpu.memory_space<hbm>> -> memref<40960xf32, #tpu.memory_space<hbm>>
      tpu.wait_dma2 semaphore(%run_scoped3A : memref<!tpu.dma_semaphore, #tpu.memory_space<semaphore_mem>>) src(%dma_wait3A_57 : memref<40960xf32, #tpu.memory_space<hbm>>) dst(%arg6 : memref<40960xf32, #tpu.memory_space<vmem>>)
      tpu.yield
    }) : () -> ()
    "tpu.region"() ({
      %run_scoped3A = tpu.sem_alloc : memref<!tpu.dma_semaphore, #tpu.memory_space<semaphore_mem>>
      %dma_start3A = tpu.memref_slice %arg3[%mul3A_2] : memref<10240xi32, #tpu.memory_space<hbm>> -> memref<320xi32, #tpu.memory_space<hbm>>
      %dma_start3A_56 = tpu.memref_slice %arg3[%mul3A_2] : memref<10240xi32, #tpu.memory_space<hbm>> -> memref<320xi32, #tpu.memory_space<hbm>>
      tpu.enqueue_dma source(%dma_start3A_56 : memref<320xi32, #tpu.memory_space<hbm>>) target(%arg8 : memref<320xi32, #tpu.memory_space<vmem>>) target_semaphore(%run_scoped3A : memref<!tpu.dma_semaphore, #tpu.memory_space<semaphore_mem>>)
      %dma_wait3A = tpu.memref_slice %arg3[%mul3A_2] : memref<10240xi32, #tpu.memory_space<hbm>> -> memref<320xi32, #tpu.memory_space<hbm>>
      %dma_wait3A_57 = tpu.memref_slice %arg3[%mul3A_2] : memref<10240xi32, #tpu.memory_space<hbm>> -> memref<320xi32, #tpu.memory_space<hbm>>
      tpu.wait_dma2 semaphore(%run_scoped3A : memref<!tpu.dma_semaphore, #tpu.memory_space<semaphore_mem>>) src(%dma_wait3A_57 : memref<320xi32, #tpu.memory_space<hbm>>) dst(%arg8 : memref<320xi32, #tpu.memory_space<vmem>>)
      tpu.yield
    }) : () -> ()
    %sub3A = arith.constant 10000 : i32
    %sub3A_5 = arith.subi %sub3A, %mul3A_2 : i32
    %max3A = arith.constant 0 : i32
    %max3A_6 = arith.maxsi %sub3A_5, %max3A : i32
    %min3A = arith.constant 320 : i32
    %min3A_7 = arith.minsi %min3A, %max3A_6 : i32
    %iota3A = tpu.iota {dimensions = array<i32: 0>} : vector<16xi32>
    %add3A_8 = arith.constant 0 : i32
    %add3A_9 = vector.broadcast %add3A_8 : i32 to vector<16xi32>
    %add3A_10 = arith.addi %iota3A, %add3A_9 : vector<16xi32>
    %iota3A_11 = tpu.iota {dimensions = array<i32: 0>} : vector<16xi32>
    %add3A_12 = arith.constant 16 : i32
    %add3A_13 = vector.broadcast %add3A_12 : i32 to vector<16xi32>
    %add3A_14 = arith.addi %iota3A_11, %add3A_13 : vector<16xi32>
    %iota3A_15 = tpu.iota {dimensions = array<i32: 0>} : vector<16xi32>
    %add3A_16 = arith.constant 32 : i32
    %add3A_17 = vector.broadcast %add3A_16 : i32 to vector<16xi32>
    %add3A_18 = arith.addi %iota3A_15, %add3A_17 : vector<16xi32>
    %iota3A_19 = tpu.iota {dimensions = array<i32: 0>} : vector<16xi32>
    %add3A_20 = arith.constant 48 : i32
    %add3A_21 = vector.broadcast %add3A_20 : i32 to vector<16xi32>
    %add3A_22 = arith.addi %iota3A_19, %add3A_21 : vector<16xi32>
    %iota3A_23 = tpu.iota {dimensions = array<i32: 0>} : vector<16xi32>
    %add3A_24 = arith.constant 64 : i32
    %add3A_25 = vector.broadcast %add3A_24 : i32 to vector<16xi32>
    %add3A_26 = arith.addi %iota3A_23, %add3A_25 : vector<16xi32>
    %iota3A_27 = tpu.iota {dimensions = array<i32: 0>} : vector<16xi32>
    %add3A_28 = arith.constant 80 : i32
    %add3A_29 = vector.broadcast %add3A_28 : i32 to vector<16xi32>
    %add3A_30 = arith.addi %iota3A_27, %add3A_29 : vector<16xi32>
    %iota3A_31 = tpu.iota {dimensions = array<i32: 0>} : vector<16xi32>
    %add3A_32 = arith.constant 96 : i32
    %add3A_33 = vector.broadcast %add3A_32 : i32 to vector<16xi32>
    %add3A_34 = arith.addi %iota3A_31, %add3A_33 : vector<16xi32>
    %iota3A_35 = tpu.iota {dimensions = array<i32: 0>} : vector<16xi32>
    %add3A_36 = arith.constant 112 : i32
    %add3A_37 = vector.broadcast %add3A_36 : i32 to vector<16xi32>
    %add3A_38 = arith.addi %iota3A_35, %add3A_37 : vector<16xi32>
    %sub3A_39 = arith.constant 0 : i32
    %sub3A_40 = arith.subi %min3A_7, %sub3A_39 : i32
    %sub3A_41 = arith.constant 1 : i32
    %sub3A_42 = arith.constant 1 : i32
    %sub3A_43 = arith.subi %sub3A_41, %sub3A_42 : i32
    %add3A_44 = arith.addi %sub3A_40, %sub3A_43 : i32
    %div3A = arith.constant 1 : i32
    %div3A_45 = arith.divsi %add3A_44, %div3A : i32
    %while3A = arith.constant 1 : i32
    %while3A_46 = arith.constant 0 : i32
    %while3A_47 = arith.constant 0 : i32
    %while3A_48 = arith.subi %div3A_45, %while3A_47 : i32
    %while3A_49 = arith.addi %while3A_47, %while3A_48 : i32
    %while3A_50 = arith.constant 1 : i32
    %while3A_51 = arith.divsi %while3A_48, %while3A_50 : i32
    %while3A_52 = arith.muli %while3A_51, %while3A_50 : i32
    %while3A_53 = arith.addi %while3A_47, %while3A_52 : i32
    %while3A_54 = arith.constant 1 : i32
    scf.for %while3A_56 = %while3A_47 to %while3A_53 step %while3A_54  : i32 {
      %mul3A_57 = arith.muli %while3A_56, %while3A : i32
      %add3A_58 = arith.addi %while3A_46, %mul3A_57 : i32
      %broadcast_in_dim3A = arith.constant 0 : i32
      %broadcast_in_dim3A_59 = vector.broadcast %broadcast_in_dim3A : i32 to vector<16xi32>
      %add3A_60 = vector.broadcast %add3A_58 : i32 to vector<16xi32>
      %add3A_61 = arith.addi %broadcast_in_dim3A_59, %add3A_60 : vector<16xi32>
      %gather3A = tpu.vector_load_idx %arg8[%add3A_61] : memref<320xi32, #tpu.memory_space<vmem>>[vector<16xi32>], vector<16xi32>,
      %mul3A_62 = arith.constant 128 : i32
      %mul3A_63 = vector.broadcast %mul3A_62 : i32 to vector<16xi32>
      %mul3A_64 = arith.muli %gather3A, %mul3A_63 : vector<16xi32>
      %mul3A_65 = arith.constant 128 : i32
      %mul3A_66 = arith.muli %add3A_58, %mul3A_65 : i32
      %add3A_67 = arith.constant 0 : i32
      %add3A_68 = arith.addi %mul3A_66, %add3A_67 : i32
      %get3A = arith.index_cast %add3A_68 : i32 to index
      %get3A_69 = tpu.vector_load %arg6[%get3A] {strides = array<i32>} : memref<40960xf32, #tpu.memory_space<vmem>>, vector<16xf32>,
      %add3A_70 = arith.addi %mul3A_64, %add3A_10 : vector<16xi32>
      %gather3A_71 = tpu.vector_load_idx %arg7[%add3A_70] : memref<8192xf32, #tpu.memory_space<vmem>>[vector<16xi32>], vector<16xf32>,
      %max3A_72 = arith.maximumf %gather3A_71, %get3A_69 : vector<16xf32>
      tpu.vector_store_idx %arg7[%add3A_70], %max3A_72 : memref<8192xf32, #tpu.memory_space<vmem>>[vector<16xi32>], vector<16xf32>,
      %mul3A_73 = arith.constant 128 : i32
      %mul3A_74 = arith.muli %add3A_58, %mul3A_73 : i32
      %add3A_75 = arith.constant 16 : i32
      %add3A_76 = arith.addi %mul3A_74, %add3A_75 : i32
      %get3A_77 = arith.index_cast %add3A_76 : i32 to index
      %get3A_78 = tpu.vector_load %arg6[%get3A_77] {strides = array<i32>} : memref<40960xf32, #tpu.memory_space<vmem>>, vector<16xf32>,
      %add3A_79 = arith.addi %mul3A_64, %add3A_14 : vector<16xi32>
      %gather3A_80 = tpu.vector_load_idx %arg7[%add3A_79] : memref<8192xf32, #tpu.memory_space<vmem>>[vector<16xi32>], vector<16xf32>,
      %max3A_81 = arith.maximumf %gather3A_80, %get3A_78 : vector<16xf32>
      tpu.vector_store_idx %arg7[%add3A_79], %max3A_81 : memref<8192xf32, #tpu.memory_space<vmem>>[vector<16xi32>], vector<16xf32>,
      %mul3A_82 = arith.constant 128 : i32
      %mul3A_83 = arith.muli %add3A_58, %mul3A_82 : i32
      %add3A_84 = arith.constant 32 : i32
      %add3A_85 = arith.addi %mul3A_83, %add3A_84 : i32
      %get3A_86 = arith.index_cast %add3A_85 : i32 to index
      %get3A_87 = tpu.vector_load %arg6[%get3A_86] {strides = array<i32>} : memref<40960xf32, #tpu.memory_space<vmem>>, vector<16xf32>,
      %add3A_88 = arith.addi %mul3A_64, %add3A_18 : vector<16xi32>
      %gather3A_89 = tpu.vector_load_idx %arg7[%add3A_88] : memref<8192xf32, #tpu.memory_space<vmem>>[vector<16xi32>], vector<16xf32>,
      %max3A_90 = arith.maximumf %gather3A_89, %get3A_87 : vector<16xf32>
      tpu.vector_store_idx %arg7[%add3A_88], %max3A_90 : memref<8192xf32, #tpu.memory_space<vmem>>[vector<16xi32>], vector<16xf32>,
      %mul3A_91 = arith.constant 128 : i32
      %mul3A_92 = arith.muli %add3A_58, %mul3A_91 : i32
      %add3A_93 = arith.constant 48 : i32
      %add3A_94 = arith.addi %mul3A_92, %add3A_93 : i32
      %get3A_95 = arith.index_cast %add3A_94 : i32 to index
      %get3A_96 = tpu.vector_load %arg6[%get3A_95] {strides = array<i32>} : memref<40960xf32, #tpu.memory_space<vmem>>, vector<16xf32>,
      %add3A_97 = arith.addi %mul3A_64, %add3A_22 : vector<16xi32>
      %gather3A_98 = tpu.vector_load_idx %arg7[%add3A_97] : memref<8192xf32, #tpu.memory_space<vmem>>[vector<16xi32>], vector<16xf32>,
      %max3A_99 = arith.maximumf %gather3A_98, %get3A_96 : vector<16xf32>
      tpu.vector_store_idx %arg7[%add3A_97], %max3A_99 : memref<8192xf32, #tpu.memory_space<vmem>>[vector<16xi32>], vector<16xf32>,
      %mul3A_100 = arith.constant 128 : i32
      %mul3A_101 = arith.muli %add3A_58, %mul3A_100 : i32
      %add3A_102 = arith.constant 64 : i32
      %add3A_103 = arith.addi %mul3A_101, %add3A_102 : i32
      %get3A_104 = arith.index_cast %add3A_103 : i32 to index
      %get3A_105 = tpu.vector_load %arg6[%get3A_104] {strides = array<i32>} : memref<40960xf32, #tpu.memory_space<vmem>>, vector<16xf32>,
      %add3A_106 = arith.addi %mul3A_64, %add3A_26 : vector<16xi32>
      %gather3A_107 = tpu.vector_load_idx %arg7[%add3A_106] : memref<8192xf32, #tpu.memory_space<vmem>>[vector<16xi32>], vector<16xf32>,
      %max3A_108 = arith.maximumf %gather3A_107, %get3A_105 : vector<16xf32>
      tpu.vector_store_idx %arg7[%add3A_106], %max3A_108 : memref<8192xf32, #tpu.memory_space<vmem>>[vector<16xi32>], vector<16xf32>,
      %mul3A_109 = arith.constant 128 : i32
      %mul3A_110 = arith.muli %add3A_58, %mul3A_109 : i32
      %add3A_111 = arith.constant 80 : i32
      %add3A_112 = arith.addi %mul3A_110, %add3A_111 : i32
      %get3A_113 = arith.index_cast %add3A_112 : i32 to index
      %get3A_114 = tpu.vector_load %arg6[%get3A_113] {strides = array<i32>} : memref<40960xf32, #tpu.memory_space<vmem>>, vector<16xf32>,
      %add3A_115 = arith.addi %mul3A_64, %add3A_30 : vector<16xi32>
      %gather3A_116 = tpu.vector_load_idx %arg7[%add3A_115] : memref<8192xf32, #tpu.memory_space<vmem>>[vector<16xi32>], vector<16xf32>,
      %max3A_117 = arith.maximumf %gather3A_116, %get3A_114 : vector<16xf32>
      tpu.vector_store_idx %arg7[%add3A_115], %max3A_117 : memref<8192xf32, #tpu.memory_space<vmem>>[vector<16xi32>], vector<16xf32>,
      %mul3A_118 = arith.constant 128 : i32
      %mul3A_119 = arith.muli %add3A_58, %mul3A_118 : i32
      %add3A_120 = arith.constant 96 : i32
      %add3A_121 = arith.addi %mul3A_119, %add3A_120 : i32
      %get3A_122 = arith.index_cast %add3A_121 : i32 to index
      %get3A_123 = tpu.vector_load %arg6[%get3A_122] {strides = array<i32>} : memref<40960xf32, #tpu.memory_space<vmem>>, vector<16xf32>,
      %add3A_124 = arith.addi %mul3A_64, %add3A_34 : vector<16xi32>
      %gather3A_125 = tpu.vector_load_idx %arg7[%add3A_124] : memref<8192xf32, #tpu.memory_space<vmem>>[vector<16xi32>], vector<16xf32>,
      %max3A_126 = arith.maximumf %gather3A_125, %get3A_123 : vector<16xf32>
      tpu.vector_store_idx %arg7[%add3A_124], %max3A_126 : memref<8192xf32, #tpu.memory_space<vmem>>[vector<16xi32>], vector<16xf32>,
      %mul3A_127 = arith.constant 128 : i32
      %mul3A_128 = arith.muli %add3A_58, %mul3A_127 : i32
      %add3A_129 = arith.constant 112 : i32
      %add3A_130 = arith.addi %mul3A_128, %add3A_129 : i32
      %get3A_131 = arith.index_cast %add3A_130 : i32 to index
      %get3A_132 = tpu.vector_load %arg6[%get3A_131] {strides = array<i32>} : memref<40960xf32, #tpu.memory_space<vmem>>, vector<16xf32>,
      %add3A_133 = arith.addi %mul3A_64, %add3A_38 : vector<16xi32>
      %gather3A_134 = tpu.vector_load_idx %arg7[%add3A_133] : memref<8192xf32, #tpu.memory_space<vmem>>[vector<16xi32>], vector<16xf32>,
      %max3A_135 = arith.maximumf %gather3A_134, %get3A_132 : vector<16xf32>
      tpu.vector_store_idx %arg7[%add3A_133], %max3A_135 : memref<8192xf32, #tpu.memory_space<vmem>>[vector<16xi32>], vector<16xf32>,
    }
    %while3A_55 = arith.constant 1 : i32
    scf.for %while3A_56 = %while3A_53 to %while3A_49 step %while3A_55  : i32 {
      %mul3A_57 = arith.muli %while3A_56, %while3A : i32
      %add3A_58 = arith.addi %while3A_46, %mul3A_57 : i32
      %broadcast_in_dim3A = arith.constant 0 : i32
      %broadcast_in_dim3A_59 = vector.broadcast %broadcast_in_dim3A : i32 to vector<16xi32>
      %add3A_60 = vector.broadcast %add3A_58 : i32 to vector<16xi32>
      %add3A_61 = arith.addi %broadcast_in_dim3A_59, %add3A_60 : vector<16xi32>
      %gather3A = tpu.vector_load_idx %arg8[%add3A_61] : memref<320xi32, #tpu.memory_space<vmem>>[vector<16xi32>], vector<16xi32>,
      %mul3A_62 = arith.constant 128 : i32
      %mul3A_63 = vector.broadcast %mul3A_62 : i32 to vector<16xi32>
      %mul3A_64 = arith.muli %gather3A, %mul3A_63 : vector<16xi32>
      %mul3A_65 = arith.constant 128 : i32
      %mul3A_66 = arith.muli %add3A_58, %mul3A_65 : i32
      %add3A_67 = arith.constant 0 : i32
      %add3A_68 = arith.addi %mul3A_66, %add3A_67 : i32
      %get3A = arith.index_cast %add3A_68 : i32 to index
      %get3A_69 = tpu.vector_load %arg6[%get3A] {strides = array<i32>} : memref<40960xf32, #tpu.memory_space<vmem>>, vector<16xf32>,
      %add3A_70 = arith.addi %mul3A_64, %add3A_10 : vector<16xi32>
      %gather3A_71 = tpu.vector_load_idx %arg7[%add3A_70] : memref<8192xf32, #tpu.memory_space<vmem>>[vector<16xi32>], vector<16xf32>,
      %max3A_72 = arith.maximumf %gather3A_71, %get3A_69 : vector<16xf32>
      tpu.vector_store_idx %arg7[%add3A_70], %max3A_72 : memref<8192xf32, #tpu.memory_space<vmem>>[vector<16xi32>], vector<16xf32>,
      %mul3A_73 = arith.constant 128 : i32
      %mul3A_74 = arith.muli %add3A_58, %mul3A_73 : i32
      %add3A_75 = arith.constant 16 : i32
      %add3A_76 = arith.addi %mul3A_74, %add3A_75 : i32
      %get3A_77 = arith.index_cast %add3A_76 : i32 to index
      %get3A_78 = tpu.vector_load %arg6[%get3A_77] {strides = array<i32>} : memref<40960xf32, #tpu.memory_space<vmem>>, vector<16xf32>,
      %add3A_79 = arith.addi %mul3A_64, %add3A_14 : vector<16xi32>
      %gather3A_80 = tpu.vector_load_idx %arg7[%add3A_79] : memref<8192xf32, #tpu.memory_space<vmem>>[vector<16xi32>], vector<16xf32>,
      %max3A_81 = arith.maximumf %gather3A_80, %get3A_78 : vector<16xf32>
      tpu.vector_store_idx %arg7[%add3A_79], %max3A_81 : memref<8192xf32, #tpu.memory_space<vmem>>[vector<16xi32>], vector<16xf32>,
      %mul3A_82 = arith.constant 128 : i32
      %mul3A_83 = arith.muli %add3A_58, %mul3A_82 : i32
      %add3A_84 = arith.constant 32 : i32
      %add3A_85 = arith.addi %mul3A_83, %add3A_84 : i32
      %get3A_86 = arith.index_cast %add3A_85 : i32 to index
      %get3A_87 = tpu.vector_load %arg6[%get3A_86] {strides = array<i32>} : memref<40960xf32, #tpu.memory_space<vmem>>, vector<16xf32>,
      %add3A_88 = arith.addi %mul3A_64, %add3A_18 : vector<16xi32>
      %gather3A_89 = tpu.vector_load_idx %arg7[%add3A_88] : memref<8192xf32, #tpu.memory_space<vmem>>[vector<16xi32>], vector<16xf32>,
      %max3A_90 = arith.maximumf %gather3A_89, %get3A_87 : vector<16xf32>
      tpu.vector_store_idx %arg7[%add3A_88], %max3A_90 : memref<8192xf32, #tpu.memory_space<vmem>>[vector<16xi32>], vector<16xf32>,
      %mul3A_91 = arith.constant 128 : i32
      %mul3A_92 = arith.muli %add3A_58, %mul3A_91 : i32
      %add3A_93 = arith.constant 48 : i32
      %add3A_94 = arith.addi %mul3A_92, %add3A_93 : i32
      %get3A_95 = arith.index_cast %add3A_94 : i32 to index
      %get3A_96 = tpu.vector_load %arg6[%get3A_95] {strides = array<i32>} : memref<40960xf32, #tpu.memory_space<vmem>>, vector<16xf32>,
      %add3A_97 = arith.addi %mul3A_64, %add3A_22 : vector<16xi32>
      %gather3A_98 = tpu.vector_load_idx %arg7[%add3A_97] : memref<8192xf32, #tpu.memory_space<vmem>>[vector<16xi32>], vector<16xf32>,
      %max3A_99 = arith.maximumf %gather3A_98, %get3A_96 : vector<16xf32>
      tpu.vector_store_idx %arg7[%add3A_97], %max3A_99 : memref<8192xf32, #tpu.memory_space<vmem>>[vector<16xi32>], vector<16xf32>,
      %mul3A_100 = arith.constant 128 : i32
      %mul3A_101 = arith.muli %add3A_58, %mul3A_100 : i32
      %add3A_102 = arith.constant 64 : i32
      %add3A_103 = arith.addi %mul3A_101, %add3A_102 : i32
      %get3A_104 = arith.index_cast %add3A_103 : i32 to index
      %get3A_105 = tpu.vector_load %arg6[%get3A_104] {strides = array<i32>} : memref<40960xf32, #tpu.memory_space<vmem>>, vector<16xf32>,
      %add3A_106 = arith.addi %mul3A_64, %add3A_26 : vector<16xi32>
      %gather3A_107 = tpu.vector_load_idx %arg7[%add3A_106] : memref<8192xf32, #tpu.memory_space<vmem>>[vector<16xi32>], vector<16xf32>,
      %max3A_108 = arith.maximumf %gather3A_107, %get3A_105 : vector<16xf32>
      tpu.vector_store_idx %arg7[%add3A_106], %max3A_108 : memref<8192xf32, #tpu.memory_space<vmem>>[vector<16xi32>], vector<16xf32>,
      %mul3A_109 = arith.constant 128 : i32
      %mul3A_110 = arith.muli %add3A_58, %mul3A_109 : i32
      %add3A_111 = arith.constant 80 : i32
      %add3A_112 = arith.addi %mul3A_110, %add3A_111 : i32
      %get3A_113 = arith.index_cast %add3A_112 : i32 to index
      %get3A_114 = tpu.vector_load %arg6[%get3A_113] {strides = array<i32>} : memref<40960xf32, #tpu.memory_space<vmem>>, vector<16xf32>,
      %add3A_115 = arith.addi %mul3A_64, %add3A_30 : vector<16xi32>
      %gather3A_116 = tpu.vector_load_idx %arg7[%add3A_115] : memref<8192xf32, #tpu.memory_space<vmem>>[vector<16xi32>], vector<16xf32>,
      %max3A_117 = arith.maximumf %gather3A_116, %get3A_114 : vector<16xf32>
      tpu.vector_store_idx %arg7[%add3A_115], %max3A_117 : memref<8192xf32, #tpu.memory_space<vmem>>[vector<16xi32>], vector<16xf32>,
      %mul3A_118 = arith.constant 128 : i32
      %mul3A_119 = arith.muli %add3A_58, %mul3A_118 : i32
      %add3A_120 = arith.constant 96 : i32
      %add3A_121 = arith.addi %mul3A_119, %add3A_120 : i32
      %get3A_122 = arith.index_cast %add3A_121 : i32 to index
      %get3A_123 = tpu.vector_load %arg6[%get3A_122] {strides = array<i32>} : memref<40960xf32, #tpu.memory_space<vmem>>, vector<16xf32>,
      %add3A_124 = arith.addi %mul3A_64, %add3A_34 : vector<16xi32>
      %gather3A_125 = tpu.vector_load_idx %arg7[%add3A_124] : memref<8192xf32, #tpu.memory_space<vmem>>[vector<16xi32>], vector<16xf32>,
      %max3A_126 = arith.maximumf %gather3A_125, %get3A_123 : vector<16xf32>
      tpu.vector_store_idx %arg7[%add3A_124], %max3A_126 : memref<8192xf32, #tpu.memory_space<vmem>>[vector<16xi32>], vector<16xf32>,
      %mul3A_127 = arith.constant 128 : i32
      %mul3A_128 = arith.muli %add3A_58, %mul3A_127 : i32
      %add3A_129 = arith.constant 112 : i32
      %add3A_130 = arith.addi %mul3A_128, %add3A_129 : i32
      %get3A_131 = arith.index_cast %add3A_130 : i32 to index
      %get3A_132 = tpu.vector_load %arg6[%get3A_131] {strides = array<i32>} : memref<40960xf32, #tpu.memory_space<vmem>>, vector<16xf32>,
      %add3A_133 = arith.addi %mul3A_64, %add3A_38 : vector<16xi32>
      %gather3A_134 = tpu.vector_load_idx %arg7[%add3A_133] : memref<8192xf32, #tpu.memory_space<vmem>>[vector<16xi32>], vector<16xf32>,
      %max3A_135 = arith.maximumf %gather3A_134, %get3A_132 : vector<16xf32>
      tpu.vector_store_idx %arg7[%add3A_133], %max3A_135 : memref<8192xf32, #tpu.memory_space<vmem>>[vector<16xi32>], vector<16xf32>,
    }
    "tpu.region"() ({
      %run_scoped3A = tpu.sem_alloc : memref<!tpu.dma_semaphore, #tpu.memory_space<semaphore_mem>>
      %dma_start3A = arith.constant 0 : i32
      %dma_start3A_56 = tpu.memref_slice %arg5[%add3A, %dma_start3A] : memref<32x8192xf32, #tpu.memory_space<hbm>> -> memref<1x8192xf32, #tpu.memory_space<hbm>>
      %dma_start3A_57 = tpu.memref_squeeze %dma_start3A_56 : memref<1x8192xf32, #tpu.memory_space<hbm>> -> memref<8192xf32, #tpu.memory_space<hbm>>
      %dma_start3A_58 = arith.constant 0 : i32
      %dma_start3A_59 = tpu.memref_slice %arg5[%add3A, %dma_start3A_58] : memref<32x8192xf32, #tpu.memory_space<hbm>> -> memref<1x8192xf32, #tpu.memory_space<hbm>>
      %dma_start3A_60 = tpu.memref_squeeze %dma_start3A_59 : memref<1x8192xf32, #tpu.memory_space<hbm>> -> memref<8192xf32, #tpu.memory_space<hbm>>
      tpu.enqueue_dma source(%arg7 : memref<8192xf32, #tpu.memory_space<vmem>>) target(%dma_start3A_60 : memref<8192xf32, #tpu.memory_space<hbm>>) target_semaphore(%run_scoped3A : memref<!tpu.dma_semaphore, #tpu.memory_space<semaphore_mem>>)
      %dma_wait3A = arith.constant 0 : i32
      %dma_wait3A_61 = tpu.memref_slice %arg5[%add3A, %dma_wait3A] : memref<32x8192xf32, #tpu.memory_space<hbm>> -> memref<1x8192xf32, #tpu.memory_space<hbm>>
      %dma_wait3A_62 = tpu.memref_squeeze %dma_wait3A_61 : memref<1x8192xf32, #tpu.memory_space<hbm>> -> memref<8192xf32, #tpu.memory_space<hbm>>
      %dma_wait3A_63 = arith.constant 0 : i32
      %dma_wait3A_64 = tpu.memref_slice %arg5[%add3A, %dma_wait3A_63] : memref<32x8192xf32, #tpu.memory_space<hbm>> -> memref<1x8192xf32, #tpu.memory_space<hbm>>
      %dma_wait3A_65 = tpu.memref_squeeze %dma_wait3A_64 : memref<1x8192xf32, #tpu.memory_space<hbm>> -> memref<8192xf32, #tpu.memory_space<hbm>>
      tpu.wait_dma2 semaphore(%run_scoped3A : memref<!tpu.dma_semaphore, #tpu.memory_space<semaphore_mem>>) src(%arg7 : memref<8192xf32, #tpu.memory_space<vmem>>) dst(%dma_wait3A_65 : memref<8192xf32, #tpu.memory_space<hbm>>)
      tpu.yield
    }) : () -> ()
    return
  }
}

#map = affine_map<(d0, d1) -> (0, 0, 0)>
#map1 = affine_map<(d0, d1) -> (0)>
#map2 = affine_map<(d0, d1) -> (0, 0)>
module attributes {stable_mosaic.version = 14 : i64} {
  func.func @_sc_degree(%arg0: i32, %arg1: i32, %arg2: memref<32x79x128xi32, #tpu.memory_space<hbm>>, %arg3: memref<10240xf32, #tpu.memory_space<hbm>>, %arg4: memref<32x10240xf32, #tpu.memory_space<hbm>>, %arg5: memref<79x128xi32, #tpu.memory_space<vmem>>, %arg6: memref<10240xf32, #tpu.memory_space<vmem>>) attributes {dimension_semantics = [#tpu.dimension_semantics<core_parallel>, #tpu.dimension_semantics<subcore_parallel>], iteration_bounds = array<i64: 2, 16>, scalar_prefetch = 0 : i64, scratch_operands = 2 : i64, tpu.core_type = #tpu.core_type<sc_vector_subcore>, window_params = [{transform_indices = #map}, {transform_indices = #map1}, {transform_indices = #map2}]} {
    %mul3A = arith.constant 16 : i32
    %mul3A_0 = arith.muli %arg0, %mul3A : i32
    %add3A = arith.addi %mul3A_0, %arg1 : i32
    "tpu.region"() ({
      %run_scoped3A = tpu.sem_alloc : memref<!tpu.dma_semaphore, #tpu.memory_space<semaphore_mem>>
      tpu.enqueue_dma source(%arg3 : memref<10240xf32, #tpu.memory_space<hbm>>) target(%arg6 : memref<10240xf32, #tpu.memory_space<vmem>>) target_semaphore(%run_scoped3A : memref<!tpu.dma_semaphore, #tpu.memory_space<semaphore_mem>>)
      tpu.wait_dma2 semaphore(%run_scoped3A : memref<!tpu.dma_semaphore, #tpu.memory_space<semaphore_mem>>) src(%arg3 : memref<10240xf32, #tpu.memory_space<hbm>>) dst(%arg6 : memref<10240xf32, #tpu.memory_space<vmem>>)
      tpu.yield
    }) : () -> ()
    "tpu.region"() ({
      %run_scoped3A = tpu.sem_alloc : memref<!tpu.dma_semaphore, #tpu.memory_space<semaphore_mem>>
      %dma_start3A = arith.constant 0 : i32
      %dma_start3A_6 = arith.constant 0 : i32
      %dma_start3A_7 = tpu.memref_slice %arg2[%add3A, %dma_start3A, %dma_start3A_6] : memref<32x79x128xi32, #tpu.memory_space<hbm>> -> memref<1x79x128xi32, #tpu.memory_space<hbm>>
      %dma_start3A_8 = tpu.memref_squeeze %dma_start3A_7 : memref<1x79x128xi32, #tpu.memory_space<hbm>> -> memref<79x128xi32, #tpu.memory_space<hbm>>
      %dma_start3A_9 = arith.constant 0 : i32
      %dma_start3A_10 = arith.constant 0 : i32
      %dma_start3A_11 = tpu.memref_slice %arg2[%add3A, %dma_start3A_9, %dma_start3A_10] : memref<32x79x128xi32, #tpu.memory_space<hbm>> -> memref<1x79x128xi32, #tpu.memory_space<hbm>>
      %dma_start3A_12 = tpu.memref_squeeze %dma_start3A_11 : memref<1x79x128xi32, #tpu.memory_space<hbm>> -> memref<79x128xi32, #tpu.memory_space<hbm>>
      tpu.enqueue_dma source(%dma_start3A_12 : memref<79x128xi32, #tpu.memory_space<hbm>>) target(%arg5 : memref<79x128xi32, #tpu.memory_space<vmem>>) target_semaphore(%run_scoped3A : memref<!tpu.dma_semaphore, #tpu.memory_space<semaphore_mem>>)
      %dma_wait3A = arith.constant 0 : i32
      %dma_wait3A_13 = arith.constant 0 : i32
      %dma_wait3A_14 = tpu.memref_slice %arg2[%add3A, %dma_wait3A, %dma_wait3A_13] : memref<32x79x128xi32, #tpu.memory_space<hbm>> -> memref<1x79x128xi32, #tpu.memory_space<hbm>>
      %dma_wait3A_15 = tpu.memref_squeeze %dma_wait3A_14 : memref<1x79x128xi32, #tpu.memory_space<hbm>> -> memref<79x128xi32, #tpu.memory_space<hbm>>
      %dma_wait3A_16 = arith.constant 0 : i32
      %dma_wait3A_17 = arith.constant 0 : i32
      %dma_wait3A_18 = tpu.memref_slice %arg2[%add3A, %dma_wait3A_16, %dma_wait3A_17] : memref<32x79x128xi32, #tpu.memory_space<hbm>> -> memref<1x79x128xi32, #tpu.memory_space<hbm>>
      %dma_wait3A_19 = tpu.memref_squeeze %dma_wait3A_18 : memref<1x79x128xi32, #tpu.memory_space<hbm>> -> memref<79x128xi32, #tpu.memory_space<hbm>>
      tpu.wait_dma2 semaphore(%run_scoped3A : memref<!tpu.dma_semaphore, #tpu.memory_space<semaphore_mem>>) src(%dma_wait3A_19 : memref<79x128xi32, #tpu.memory_space<hbm>>) dst(%arg5 : memref<79x128xi32, #tpu.memory_space<vmem>>)
      tpu.yield
    }) : () -> ()
    %broadcast_in_dim3A = arith.constant 1.000000e+00 : f32
    %broadcast_in_dim3A_1 = vector.broadcast %broadcast_in_dim3A : f32 to vector<16xf32>
    %scan3A = arith.constant 0 : i32
    %scan3A_2 = arith.constant 79 : i32
    %scan3A_3 = arith.addi %scan3A, %scan3A_2 : i32
    %scan3A_4 = arith.constant 1 : i32
    scf.for %scan3A_6 = %scan3A to %scan3A_3 step %scan3A_4  : i32 {
      %mul3A_7 = arith.constant 1 : i32
      %mul3A_8 = arith.muli %scan3A_6, %mul3A_7 : i32
      %add3A_9 = arith.constant 0 : i32
      %add3A_10 = arith.addi %add3A_9, %mul3A_8 : i32
      %get3A = arith.index_cast %add3A_10 : i32 to index
      %get3A_11 = arith.constant 0 : index
      %get3A_12 = tpu.vector_load %arg5[%get3A, %get3A_11] {strides = array<i32>} : memref<79x128xi32, #tpu.memory_space<vmem>>, vector<16xi32>,
      tpu.vector_store_idx %arg6[%get3A_12], %broadcast_in_dim3A_1 {add = true} : memref<10240xf32, #tpu.memory_space<vmem>>[vector<16xi32>], vector<16xf32>,
      %get3A_13 = arith.index_cast %add3A_10 : i32 to index
      %get3A_14 = arith.constant 16 : index
      %get3A_15 = tpu.vector_load %arg5[%get3A_13, %get3A_14] {strides = array<i32>} : memref<79x128xi32, #tpu.memory_space<vmem>>, vector<16xi32>,
      tpu.vector_store_idx %arg6[%get3A_15], %broadcast_in_dim3A_1 {add = true} : memref<10240xf32, #tpu.memory_space<vmem>>[vector<16xi32>], vector<16xf32>,
      %get3A_16 = arith.index_cast %add3A_10 : i32 to index
      %get3A_17 = arith.constant 32 : index
      %get3A_18 = tpu.vector_load %arg5[%get3A_16, %get3A_17] {strides = array<i32>} : memref<79x128xi32, #tpu.memory_space<vmem>>, vector<16xi32>,
      tpu.vector_store_idx %arg6[%get3A_18], %broadcast_in_dim3A_1 {add = true} : memref<10240xf32, #tpu.memory_space<vmem>>[vector<16xi32>], vector<16xf32>,
      %get3A_19 = arith.index_cast %add3A_10 : i32 to index
      %get3A_20 = arith.constant 48 : index
      %get3A_21 = tpu.vector_load %arg5[%get3A_19, %get3A_20] {strides = array<i32>} : memref<79x128xi32, #tpu.memory_space<vmem>>, vector<16xi32>,
      tpu.vector_store_idx %arg6[%get3A_21], %broadcast_in_dim3A_1 {add = true} : memref<10240xf32, #tpu.memory_space<vmem>>[vector<16xi32>], vector<16xf32>,
      %get3A_22 = arith.index_cast %add3A_10 : i32 to index
      %get3A_23 = arith.constant 64 : index
      %get3A_24 = tpu.vector_load %arg5[%get3A_22, %get3A_23] {strides = array<i32>} : memref<79x128xi32, #tpu.memory_space<vmem>>, vector<16xi32>,
      tpu.vector_store_idx %arg6[%get3A_24], %broadcast_in_dim3A_1 {add = true} : memref<10240xf32, #tpu.memory_space<vmem>>[vector<16xi32>], vector<16xf32>,
      %get3A_25 = arith.index_cast %add3A_10 : i32 to index
      %get3A_26 = arith.constant 80 : index
      %get3A_27 = tpu.vector_load %arg5[%get3A_25, %get3A_26] {strides = array<i32>} : memref<79x128xi32, #tpu.memory_space<vmem>>, vector<16xi32>,
      tpu.vector_store_idx %arg6[%get3A_27], %broadcast_in_dim3A_1 {add = true} : memref<10240xf32, #tpu.memory_space<vmem>>[vector<16xi32>], vector<16xf32>,
      %get3A_28 = arith.index_cast %add3A_10 : i32 to index
      %get3A_29 = arith.constant 96 : index
      %get3A_30 = tpu.vector_load %arg5[%get3A_28, %get3A_29] {strides = array<i32>} : memref<79x128xi32, #tpu.memory_space<vmem>>, vector<16xi32>,
      tpu.vector_store_idx %arg6[%get3A_30], %broadcast_in_dim3A_1 {add = true} : memref<10240xf32, #tpu.memory_space<vmem>>[vector<16xi32>], vector<16xf32>,
      %get3A_31 = arith.index_cast %add3A_10 : i32 to index
      %get3A_32 = arith.constant 112 : index
      %get3A_33 = tpu.vector_load %arg5[%get3A_31, %get3A_32] {strides = array<i32>} : memref<79x128xi32, #tpu.memory_space<vmem>>, vector<16xi32>,
      tpu.vector_store_idx %arg6[%get3A_33], %broadcast_in_dim3A_1 {add = true} : memref<10240xf32, #tpu.memory_space<vmem>>[vector<16xi32>], vector<16xf32>,
    }
    %scan3A_5 = arith.constant 79 : i32
    "tpu.region"() ({
      %run_scoped3A = tpu.sem_alloc : memref<!tpu.dma_semaphore, #tpu.memory_space<semaphore_mem>>
      %dma_start3A = arith.constant 0 : i32
      %dma_start3A_6 = tpu.memref_slice %arg4[%add3A, %dma_start3A] : memref<32x10240xf32, #tpu.memory_space<hbm>> -> memref<1x10240xf32, #tpu.memory_space<hbm>>
      %dma_start3A_7 = tpu.memref_squeeze %dma_start3A_6 : memref<1x10240xf32, #tpu.memory_space<hbm>> -> memref<10240xf32, #tpu.memory_space<hbm>>
      %dma_start3A_8 = arith.constant 0 : i32
      %dma_start3A_9 = tpu.memref_slice %arg4[%add3A, %dma_start3A_8] : memref<32x10240xf32, #tpu.memory_space<hbm>> -> memref<1x10240xf32, #tpu.memory_space<hbm>>
      %dma_start3A_10 = tpu.memref_squeeze %dma_start3A_9 : memref<1x10240xf32, #tpu.memory_space<hbm>> -> memref<10240xf32, #tpu.memory_space<hbm>>
      tpu.enqueue_dma source(%arg6 : memref<10240xf32, #tpu.memory_space<vmem>>) target(%dma_start3A_10 : memref<10240xf32, #tpu.memory_space<hbm>>) target_semaphore(%run_scoped3A : memref<!tpu.dma_semaphore, #tpu.memory_space<semaphore_mem>>)
      %dma_wait3A = arith.constant 0 : i32
      %dma_wait3A_11 = tpu.memref_slice %arg4[%add3A, %dma_wait3A] : memref<32x10240xf32, #tpu.memory_space<hbm>> -> memref<1x10240xf32, #tpu.memory_space<hbm>>
      %dma_wait3A_12 = tpu.memref_squeeze %dma_wait3A_11 : memref<1x10240xf32, #tpu.memory_space<hbm>> -> memref<10240xf32, #tpu.memory_space<hbm>>
      %dma_wait3A_13 = arith.constant 0 : i32
      %dma_wait3A_14 = tpu.memref_slice %arg4[%add3A, %dma_wait3A_13] : memref<32x10240xf32, #tpu.memory_space<hbm>> -> memref<1x10240xf32, #tpu.memory_space<hbm>>
      %dma_wait3A_15 = tpu.memref_squeeze %dma_wait3A_14 : memref<1x10240xf32, #tpu.memory_space<hbm>> -> memref<10240xf32, #tpu.memory_space<hbm>>
      tpu.wait_dma2 semaphore(%run_scoped3A : memref<!tpu.dma_semaphore, #tpu.memory_space<semaphore_mem>>) src(%arg6 : memref<10240xf32, #tpu.memory_space<vmem>>) dst(%dma_wait3A_15 : memref<10240xf32, #tpu.memory_space<hbm>>)
      tpu.yield
    }) : () -> ()
    return
  }
}

#map = affine_map<(d0, d1) -> (0, 0, 0)>
#map1 = affine_map<(d0, d1) -> (0, 0)>
module attributes {stable_mosaic.version = 14 : i64} {
  func.func @_sc_scatter(%arg0: i32, %arg1: i32, %arg2: memref<32x79x128xi32, #tpu.memory_space<hbm>>, %arg3: memref<32x79x128xi32, #tpu.memory_space<hbm>>, %arg4: memref<10240x128xf32, #tpu.memory_space<hbm>>, %arg5: memref<640x128xf32, #tpu.memory_space<hbm>>, %arg6: memref<2x10240x128xf32, #tpu.memory_space<hbm>>, %arg7: memref<79x128xi32, #tpu.memory_space<vmem>>, %arg8: memref<79x128xi32, #tpu.memory_space<vmem>>, %arg9: memref<128x128xf32, #tpu.memory_space<vmem>>, %arg10: memref<10240x128xf32, #tpu.memory_space<vmem_shared>>, %arg11: memref<!tpu.dma_semaphore, #tpu.memory_space<semaphore_mem>>) attributes {dimension_semantics = [#tpu.dimension_semantics<core_parallel>, #tpu.dimension_semantics<subcore_parallel>], iteration_bounds = array<i64: 2, 16>, scalar_prefetch = 0 : i64, scratch_operands = 5 : i64, tpu.core_type = #tpu.core_type<sc_vector_subcore>, window_params = [{transform_indices = #map}, {transform_indices = #map}, {transform_indices = #map1}, {transform_indices = #map1}, {transform_indices = #map}]} {
    %mul3A = arith.constant 16 : i32
    %mul3A_0 = arith.muli %arg0, %mul3A : i32
    %add3A = arith.addi %mul3A_0, %arg1 : i32
    %mul3A_1 = arith.constant 640 : i32
    %mul3A_2 = arith.muli %arg1, %mul3A_1 : i32
    "tpu.region"() ({
      %run_scoped3A = tpu.sem_alloc : memref<!tpu.dma_semaphore, #tpu.memory_space<semaphore_mem>>
      %dma_start3A = arith.constant 0 : i32
      %dma_start3A_12 = tpu.memref_slice %arg10[%mul3A_2, %dma_start3A] : memref<10240x128xf32, #tpu.memory_space<vmem_shared>> -> memref<640x128xf32, #tpu.memory_space<vmem_shared>>
      tpu.enqueue_dma source(%arg5 : memref<640x128xf32, #tpu.memory_space<hbm>>) target(%dma_start3A_12 : memref<640x128xf32, #tpu.memory_space<vmem_shared>>) target_semaphore(%run_scoped3A : memref<!tpu.dma_semaphore, #tpu.memory_space<semaphore_mem>>)
      %dma_wait3A = arith.constant 0 : i32
      %dma_wait3A_13 = tpu.memref_slice %arg10[%mul3A_2, %dma_wait3A] : memref<10240x128xf32, #tpu.memory_space<vmem_shared>> -> memref<640x128xf32, #tpu.memory_space<vmem_shared>>
      tpu.wait_dma2 semaphore(%run_scoped3A : memref<!tpu.dma_semaphore, #tpu.memory_space<semaphore_mem>>) src(%arg5 : memref<640x128xf32, #tpu.memory_space<hbm>>) dst(%dma_wait3A_13 : memref<640x128xf32, #tpu.memory_space<vmem_shared>>)
      tpu.yield
    }) : () -> ()
    "tpu.region"() ({
      %run_scoped3A = tpu.sem_alloc : memref<!tpu.dma_semaphore, #tpu.memory_space<semaphore_mem>>
      %dma_start3A = arith.constant 0 : i32
      %dma_start3A_12 = arith.constant 0 : i32
      %dma_start3A_13 = tpu.memref_slice %arg2[%add3A, %dma_start3A, %dma_start3A_12] : memref<32x79x128xi32, #tpu.memory_space<hbm>> -> memref<1x79x128xi32, #tpu.memory_space<hbm>>
      %dma_start3A_14 = tpu.memref_squeeze %dma_start3A_13 : memref<1x79x128xi32, #tpu.memory_space<hbm>> -> memref<79x128xi32, #tpu.memory_space<hbm>>
      %dma_start3A_15 = arith.constant 0 : i32
      %dma_start3A_16 = arith.constant 0 : i32
      %dma_start3A_17 = tpu.memref_slice %arg2[%add3A, %dma_start3A_15, %dma_start3A_16] : memref<32x79x128xi32, #tpu.memory_space<hbm>> -> memref<1x79x128xi32, #tpu.memory_space<hbm>>
      %dma_start3A_18 = tpu.memref_squeeze %dma_start3A_17 : memref<1x79x128xi32, #tpu.memory_space<hbm>> -> memref<79x128xi32, #tpu.memory_space<hbm>>
      tpu.enqueue_dma source(%dma_start3A_18 : memref<79x128xi32, #tpu.memory_space<hbm>>) target(%arg7 : memref<79x128xi32, #tpu.memory_space<vmem>>) target_semaphore(%run_scoped3A : memref<!tpu.dma_semaphore, #tpu.memory_space<semaphore_mem>>)
      %dma_wait3A = arith.constant 0 : i32
      %dma_wait3A_19 = arith.constant 0 : i32
      %dma_wait3A_20 = tpu.memref_slice %arg2[%add3A, %dma_wait3A, %dma_wait3A_19] : memref<32x79x128xi32, #tpu.memory_space<hbm>> -> memref<1x79x128xi32, #tpu.memory_space<hbm>>
      %dma_wait3A_21 = tpu.memref_squeeze %dma_wait3A_20 : memref<1x79x128xi32, #tpu.memory_space<hbm>> -> memref<79x128xi32, #tpu.memory_space<hbm>>
      %dma_wait3A_22 = arith.constant 0 : i32
      %dma_wait3A_23 = arith.constant 0 : i32
      %dma_wait3A_24 = tpu.memref_slice %arg2[%add3A, %dma_wait3A_22, %dma_wait3A_23] : memref<32x79x128xi32, #tpu.memory_space<hbm>> -> memref<1x79x128xi32, #tpu.memory_space<hbm>>
      %dma_wait3A_25 = tpu.memref_squeeze %dma_wait3A_24 : memref<1x79x128xi32, #tpu.memory_space<hbm>> -> memref<79x128xi32, #tpu.memory_space<hbm>>
      tpu.wait_dma2 semaphore(%run_scoped3A : memref<!tpu.dma_semaphore, #tpu.memory_space<semaphore_mem>>) src(%dma_wait3A_25 : memref<79x128xi32, #tpu.memory_space<hbm>>) dst(%arg7 : memref<79x128xi32, #tpu.memory_space<vmem>>)
      tpu.yield
    }) : () -> ()
    "tpu.region"() ({
      %run_scoped3A = tpu.sem_alloc : memref<!tpu.dma_semaphore, #tpu.memory_space<semaphore_mem>>
      %dma_start3A = arith.constant 0 : i32
      %dma_start3A_12 = arith.constant 0 : i32
      %dma_start3A_13 = tpu.memref_slice %arg3[%add3A, %dma_start3A, %dma_start3A_12] : memref<32x79x128xi32, #tpu.memory_space<hbm>> -> memref<1x79x128xi32, #tpu.memory_space<hbm>>
      %dma_start3A_14 = tpu.memref_squeeze %dma_start3A_13 : memref<1x79x128xi32, #tpu.memory_space<hbm>> -> memref<79x128xi32, #tpu.memory_space<hbm>>
      %dma_start3A_15 = arith.constant 0 : i32
      %dma_start3A_16 = arith.constant 0 : i32
      %dma_start3A_17 = tpu.memref_slice %arg3[%add3A, %dma_start3A_15, %dma_start3A_16] : memref<32x79x128xi32, #tpu.memory_space<hbm>> -> memref<1x79x128xi32, #tpu.memory_space<hbm>>
      %dma_start3A_18 = tpu.memref_squeeze %dma_start3A_17 : memref<1x79x128xi32, #tpu.memory_space<hbm>> -> memref<79x128xi32, #tpu.memory_space<hbm>>
      tpu.enqueue_dma source(%dma_start3A_18 : memref<79x128xi32, #tpu.memory_space<hbm>>) target(%arg8 : memref<79x128xi32, #tpu.memory_space<vmem>>) target_semaphore(%run_scoped3A : memref<!tpu.dma_semaphore, #tpu.memory_space<semaphore_mem>>)
      %dma_wait3A = arith.constant 0 : i32
      %dma_wait3A_19 = arith.constant 0 : i32
      %dma_wait3A_20 = tpu.memref_slice %arg3[%add3A, %dma_wait3A, %dma_wait3A_19] : memref<32x79x128xi32, #tpu.memory_space<hbm>> -> memref<1x79x128xi32, #tpu.memory_space<hbm>>
      %dma_wait3A_21 = tpu.memref_squeeze %dma_wait3A_20 : memref<1x79x128xi32, #tpu.memory_space<hbm>> -> memref<79x128xi32, #tpu.memory_space<hbm>>
      %dma_wait3A_22 = arith.constant 0 : i32
      %dma_wait3A_23 = arith.constant 0 : i32
      %dma_wait3A_24 = tpu.memref_slice %arg3[%add3A, %dma_wait3A_22, %dma_wait3A_23] : memref<32x79x128xi32, #tpu.memory_space<hbm>> -> memref<1x79x128xi32, #tpu.memory_space<hbm>>
      %dma_wait3A_25 = tpu.memref_squeeze %dma_wait3A_24 : memref<1x79x128xi32, #tpu.memory_space<hbm>> -> memref<79x128xi32, #tpu.memory_space<hbm>>
      tpu.wait_dma2 semaphore(%run_scoped3A : memref<!tpu.dma_semaphore, #tpu.memory_space<semaphore_mem>>) src(%dma_wait3A_25 : memref<79x128xi32, #tpu.memory_space<hbm>>) dst(%arg8 : memref<79x128xi32, #tpu.memory_space<vmem>>)
      tpu.yield
    }) : () -> ()
    %barrier3A = arith.constant 0 : index
    tpu.barrier barrier_id(%barrier3A)
    %scan3A = arith.constant 0 : i32
    %scan3A_3 = arith.constant 79 : i32
    %scan3A_4 = arith.addi %scan3A, %scan3A_3 : i32
    %scan3A_5 = arith.constant 1 : i32
    scf.for %scan3A_12 = %scan3A to %scan3A_4 step %scan3A_5  : i32 {
      %mul3A_13 = arith.constant 1 : i32
      %mul3A_14 = arith.muli %scan3A_12, %mul3A_13 : i32
      %add3A_15 = arith.constant 0 : i32
      %add3A_16 = arith.addi %add3A_15, %mul3A_14 : i32
      %dma_start3A = arith.constant 0 : i32
      %dma_start3A_17 = tpu.memref_slice %arg7[%add3A_16, %dma_start3A] : memref<79x128xi32, #tpu.memory_space<vmem>> -> memref<1x128xi32, #tpu.memory_space<vmem>>
      %dma_start3A_18 = tpu.memref_squeeze %dma_start3A_17 : memref<1x128xi32, #tpu.memory_space<vmem>> -> memref<128xi32, #tpu.memory_space<vmem>>
      %dma_start3A_19 = arith.constant 0 : i32
      %dma_start3A_20 = arith.constant 0 : i32
      %dma_start3A_21 = tpu.memref_slice %arg4[%dma_start3A_19, %dma_start3A_20] : memref<10240x128xf32, #tpu.memory_space<hbm>> -> memref<10240x128xf32, #tpu.memory_space<hbm>>
      tpu.enqueue_indirect_dma source(%dma_start3A_21 : memref<10240x128xf32, #tpu.memory_space<hbm>>) target(%arg9 : memref<128x128xf32, #tpu.memory_space<vmem>>) offsets(%dma_start3A_18 : memref<128xi32, #tpu.memory_space<vmem>>) semaphore(%arg11 : memref<!tpu.dma_semaphore, #tpu.memory_space<semaphore_mem>>)
      %dma_wait3A = arith.constant 0 : i32
      %dma_wait3A_22 = tpu.memref_slice %arg7[%add3A_16, %dma_wait3A] : memref<79x128xi32, #tpu.memory_space<vmem>> -> memref<1x128xi32, #tpu.memory_space<vmem>>
      %dma_wait3A_23 = tpu.memref_squeeze %dma_wait3A_22 : memref<1x128xi32, #tpu.memory_space<vmem>> -> memref<128xi32, #tpu.memory_space<vmem>>
      %dma_wait3A_24 = arith.constant 0 : i32
      %dma_wait3A_25 = arith.constant 0 : i32
      %dma_wait3A_26 = tpu.memref_slice %arg4[%dma_wait3A_24, %dma_wait3A_25] : memref<10240x128xf32, #tpu.memory_space<hbm>> -> memref<10240x128xf32, #tpu.memory_space<hbm>>
      tpu.wait_indirect_dma semaphore(%arg11 : memref<!tpu.dma_semaphore, #tpu.memory_space<semaphore_mem>>) src(%dma_wait3A_26 : memref<10240x128xf32, #tpu.memory_space<hbm>>) dst(%arg9 : memref<128x128xf32, #tpu.memory_space<vmem>>)
      "tpu.region"() ({
        %run_scoped3A = tpu.sem_alloc : memref<!tpu.dma_semaphore, #tpu.memory_space<semaphore_mem>>
        %dma_start3A_27 = arith.constant 0 : i32
        %dma_start3A_28 = tpu.memref_slice %arg8[%add3A_16, %dma_start3A_27] : memref<79x128xi32, #tpu.memory_space<vmem>> -> memref<1x128xi32, #tpu.memory_space<vmem>>
        %dma_start3A_29 = tpu.memref_squeeze %dma_start3A_28 : memref<1x128xi32, #tpu.memory_space<vmem>> -> memref<128xi32, #tpu.memory_space<vmem>>
        %dma_start3A_30 = arith.constant 0 : i32
        %dma_start3A_31 = arith.constant 0 : i32
        %dma_start3A_32 = tpu.memref_slice %arg10[%dma_start3A_30, %dma_start3A_31] : memref<10240x128xf32, #tpu.memory_space<vmem_shared>> -> memref<10240x128xf32, #tpu.memory_space<vmem_shared>>
        tpu.enqueue_indirect_dma source(%arg9 : memref<128x128xf32, #tpu.memory_space<vmem>>) target(%dma_start3A_32 : memref<10240x128xf32, #tpu.memory_space<vmem_shared>>) offsets(%dma_start3A_29 : memref<128xi32, #tpu.memory_space<vmem>>) semaphore(%run_scoped3A : memref<!tpu.dma_semaphore, #tpu.memory_space<semaphore_mem>>) {add = true}
        %dma_wait3A_33 = arith.constant 0 : i32
        %dma_wait3A_34 = tpu.memref_slice %arg8[%add3A_16, %dma_wait3A_33] : memref<79x128xi32, #tpu.memory_space<vmem>> -> memref<1x128xi32, #tpu.memory_space<vmem>>
        %dma_wait3A_35 = tpu.memref_squeeze %dma_wait3A_34 : memref<1x128xi32, #tpu.memory_space<vmem>> -> memref<128xi32, #tpu.memory_space<vmem>>
        %dma_wait3A_36 = arith.constant 0 : i32
        %dma_wait3A_37 = arith.constant 0 : i32
        %dma_wait3A_38 = tpu.memref_slice %arg10[%dma_wait3A_36, %dma_wait3A_37] : memref<10240x128xf32, #tpu.memory_space<vmem_shared>> -> memref<10240x128xf32, #tpu.memory_space<vmem_shared>>
        tpu.wait_indirect_dma semaphore(%run_scoped3A : memref<!tpu.dma_semaphore, #tpu.memory_space<semaphore_mem>>) src(%arg9 : memref<128x128xf32, #tpu.memory_space<vmem>>) dst(%dma_wait3A_38 : memref<10240x128xf32, #tpu.memory_space<vmem_shared>>)
        tpu.yield
      }) : () -> ()
    }
    %scan3A_6 = arith.constant 79 : i32
    %barrier3A_7 = arith.constant 0 : index
    tpu.barrier barrier_id(%barrier3A_7)
    %mul3A_8 = arith.constant 640 : i32
    %mul3A_9 = arith.muli %arg1, %mul3A_8 : i32
    %mul3A_10 = arith.constant 640 : i32
    %mul3A_11 = arith.muli %arg1, %mul3A_10 : i32
    "tpu.region"() ({
      %run_scoped3A = tpu.sem_alloc : memref<!tpu.dma_semaphore, #tpu.memory_space<semaphore_mem>>
      %dma_start3A = arith.constant 0 : i32
      %dma_start3A_12 = tpu.memref_slice %arg6[%arg0, %mul3A_11, %dma_start3A] : memref<2x10240x128xf32, #tpu.memory_space<hbm>> -> memref<1x640x128xf32, #tpu.memory_space<hbm>>
      %dma_start3A_13 = tpu.memref_squeeze %dma_start3A_12 : memref<1x640x128xf32, #tpu.memory_space<hbm>> -> memref<640x128xf32, #tpu.memory_space<hbm>>
      %dma_start3A_14 = arith.constant 0 : i32
      %dma_start3A_15 = tpu.memref_slice %arg10[%mul3A_9, %dma_start3A_14] : memref<10240x128xf32, #tpu.memory_space<vmem_shared>> -> memref<640x128xf32, #tpu.memory_space<vmem_shared>>
      tpu.enqueue_dma source(%dma_start3A_15 : memref<640x128xf32, #tpu.memory_space<vmem_shared>>) target(%dma_start3A_13 : memref<640x128xf32, #tpu.memory_space<hbm>>) target_semaphore(%run_scoped3A : memref<!tpu.dma_semaphore, #tpu.memory_space<semaphore_mem>>)
      %dma_wait3A = arith.constant 0 : i32
      %dma_wait3A_16 = tpu.memref_slice %arg6[%arg0, %mul3A_11, %dma_wait3A] : memref<2x10240x128xf32, #tpu.memory_space<hbm>> -> memref<1x640x128xf32, #tpu.memory_space<hbm>>
      %dma_wait3A_17 = tpu.memref_squeeze %dma_wait3A_16 : memref<1x640x128xf32, #tpu.memory_space<hbm>> -> memref<640x128xf32, #tpu.memory_space<hbm>>
      %dma_wait3A_18 = arith.constant 0 : i32
      %dma_wait3A_19 = tpu.memref_slice %arg10[%mul3A_9, %dma_wait3A_18] : memref<10240x128xf32, #tpu.memory_space<vmem_shared>> -> memref<640x128xf32, #tpu.memory_space<vmem_shared>>
      tpu.wait_dma2 semaphore(%run_scoped3A : memref<!tpu.dma_semaphore, #tpu.memory_space<semaphore_mem>>) src(%dma_wait3A_19 : memref<640x128xf32, #tpu.memory_space<vmem_shared>>) dst(%dma_wait3A_17 : memref<640x128xf32, #tpu.memory_space<hbm>>)
      tpu.yield
    }) : () -> ()
    return
  }
}

#map = affine_map<(d0, d1) -> (0, 0, 0)>
#map1 = affine_map<(d0, d1) -> (0, 0)>
module attributes {stable_mosaic.version = 14 : i64} {
  func.func @_sc_scatter(%arg0: i32, %arg1: i32, %arg2: memref<32x79x128xi32, #tpu.memory_space<hbm>>, %arg3: memref<32x79x128xi32, #tpu.memory_space<hbm>>, %arg4: memref<10240x128xf32, #tpu.memory_space<hbm>>, %arg5: memref<640x128xf32, #tpu.memory_space<hbm>>, %arg6: memref<2x10240x128xf32, #tpu.memory_space<hbm>>, %arg7: memref<79x128xi32, #tpu.memory_space<vmem>>, %arg8: memref<79x128xi32, #tpu.memory_space<vmem>>, %arg9: memref<128x128xf32, #tpu.memory_space<vmem>>, %arg10: memref<10240x128xf32, #tpu.memory_space<vmem_shared>>, %arg11: memref<!tpu.dma_semaphore, #tpu.memory_space<semaphore_mem>>) attributes {dimension_semantics = [#tpu.dimension_semantics<core_parallel>, #tpu.dimension_semantics<subcore_parallel>], iteration_bounds = array<i64: 2, 16>, scalar_prefetch = 0 : i64, scratch_operands = 5 : i64, tpu.core_type = #tpu.core_type<sc_vector_subcore>, window_params = [{transform_indices = #map}, {transform_indices = #map}, {transform_indices = #map1}, {transform_indices = #map1}, {transform_indices = #map}]} {
    %mul3A = arith.constant 16 : i32
    %mul3A_0 = arith.muli %arg0, %mul3A : i32
    %add3A = arith.addi %mul3A_0, %arg1 : i32
    %mul3A_1 = arith.constant 640 : i32
    %mul3A_2 = arith.muli %arg1, %mul3A_1 : i32
    "tpu.region"() ({
      %run_scoped3A = tpu.sem_alloc : memref<!tpu.dma_semaphore, #tpu.memory_space<semaphore_mem>>
      %dma_start3A = arith.constant 0 : i32
      %dma_start3A_12 = tpu.memref_slice %arg10[%mul3A_2, %dma_start3A] : memref<10240x128xf32, #tpu.memory_space<vmem_shared>> -> memref<640x128xf32, #tpu.memory_space<vmem_shared>>
      tpu.enqueue_dma source(%arg5 : memref<640x128xf32, #tpu.memory_space<hbm>>) target(%dma_start3A_12 : memref<640x128xf32, #tpu.memory_space<vmem_shared>>) target_semaphore(%run_scoped3A : memref<!tpu.dma_semaphore, #tpu.memory_space<semaphore_mem>>)
      %dma_wait3A = arith.constant 0 : i32
      %dma_wait3A_13 = tpu.memref_slice %arg10[%mul3A_2, %dma_wait3A] : memref<10240x128xf32, #tpu.memory_space<vmem_shared>> -> memref<640x128xf32, #tpu.memory_space<vmem_shared>>
      tpu.wait_dma2 semaphore(%run_scoped3A : memref<!tpu.dma_semaphore, #tpu.memory_space<semaphore_mem>>) src(%arg5 : memref<640x128xf32, #tpu.memory_space<hbm>>) dst(%dma_wait3A_13 : memref<640x128xf32, #tpu.memory_space<vmem_shared>>)
      tpu.yield
    }) : () -> ()
    "tpu.region"() ({
      %run_scoped3A = tpu.sem_alloc : memref<!tpu.dma_semaphore, #tpu.memory_space<semaphore_mem>>
      %dma_start3A = arith.constant 0 : i32
      %dma_start3A_12 = arith.constant 0 : i32
      %dma_start3A_13 = tpu.memref_slice %arg2[%add3A, %dma_start3A, %dma_start3A_12] : memref<32x79x128xi32, #tpu.memory_space<hbm>> -> memref<1x79x128xi32, #tpu.memory_space<hbm>>
      %dma_start3A_14 = tpu.memref_squeeze %dma_start3A_13 : memref<1x79x128xi32, #tpu.memory_space<hbm>> -> memref<79x128xi32, #tpu.memory_space<hbm>>
      %dma_start3A_15 = arith.constant 0 : i32
      %dma_start3A_16 = arith.constant 0 : i32
      %dma_start3A_17 = tpu.memref_slice %arg2[%add3A, %dma_start3A_15, %dma_start3A_16] : memref<32x79x128xi32, #tpu.memory_space<hbm>> -> memref<1x79x128xi32, #tpu.memory_space<hbm>>
      %dma_start3A_18 = tpu.memref_squeeze %dma_start3A_17 : memref<1x79x128xi32, #tpu.memory_space<hbm>> -> memref<79x128xi32, #tpu.memory_space<hbm>>
      tpu.enqueue_dma source(%dma_start3A_18 : memref<79x128xi32, #tpu.memory_space<hbm>>) target(%arg7 : memref<79x128xi32, #tpu.memory_space<vmem>>) target_semaphore(%run_scoped3A : memref<!tpu.dma_semaphore, #tpu.memory_space<semaphore_mem>>)
      %dma_wait3A = arith.constant 0 : i32
      %dma_wait3A_19 = arith.constant 0 : i32
      %dma_wait3A_20 = tpu.memref_slice %arg2[%add3A, %dma_wait3A, %dma_wait3A_19] : memref<32x79x128xi32, #tpu.memory_space<hbm>> -> memref<1x79x128xi32, #tpu.memory_space<hbm>>
      %dma_wait3A_21 = tpu.memref_squeeze %dma_wait3A_20 : memref<1x79x128xi32, #tpu.memory_space<hbm>> -> memref<79x128xi32, #tpu.memory_space<hbm>>
      %dma_wait3A_22 = arith.constant 0 : i32
      %dma_wait3A_23 = arith.constant 0 : i32
      %dma_wait3A_24 = tpu.memref_slice %arg2[%add3A, %dma_wait3A_22, %dma_wait3A_23] : memref<32x79x128xi32, #tpu.memory_space<hbm>> -> memref<1x79x128xi32, #tpu.memory_space<hbm>>
      %dma_wait3A_25 = tpu.memref_squeeze %dma_wait3A_24 : memref<1x79x128xi32, #tpu.memory_space<hbm>> -> memref<79x128xi32, #tpu.memory_space<hbm>>
      tpu.wait_dma2 semaphore(%run_scoped3A : memref<!tpu.dma_semaphore, #tpu.memory_space<semaphore_mem>>) src(%dma_wait3A_25 : memref<79x128xi32, #tpu.memory_space<hbm>>) dst(%arg7 : memref<79x128xi32, #tpu.memory_space<vmem>>)
      tpu.yield
    }) : () -> ()
    "tpu.region"() ({
      %run_scoped3A = tpu.sem_alloc : memref<!tpu.dma_semaphore, #tpu.memory_space<semaphore_mem>>
      %dma_start3A = arith.constant 0 : i32
      %dma_start3A_12 = arith.constant 0 : i32
      %dma_start3A_13 = tpu.memref_slice %arg3[%add3A, %dma_start3A, %dma_start3A_12] : memref<32x79x128xi32, #tpu.memory_space<hbm>> -> memref<1x79x128xi32, #tpu.memory_space<hbm>>
      %dma_start3A_14 = tpu.memref_squeeze %dma_start3A_13 : memref<1x79x128xi32, #tpu.memory_space<hbm>> -> memref<79x128xi32, #tpu.memory_space<hbm>>
      %dma_start3A_15 = arith.constant 0 : i32
      %dma_start3A_16 = arith.constant 0 : i32
      %dma_start3A_17 = tpu.memref_slice %arg3[%add3A, %dma_start3A_15, %dma_start3A_16] : memref<32x79x128xi32, #tpu.memory_space<hbm>> -> memref<1x79x128xi32, #tpu.memory_space<hbm>>
      %dma_start3A_18 = tpu.memref_squeeze %dma_start3A_17 : memref<1x79x128xi32, #tpu.memory_space<hbm>> -> memref<79x128xi32, #tpu.memory_space<hbm>>
      tpu.enqueue_dma source(%dma_start3A_18 : memref<79x128xi32, #tpu.memory_space<hbm>>) target(%arg8 : memref<79x128xi32, #tpu.memory_space<vmem>>) target_semaphore(%run_scoped3A : memref<!tpu.dma_semaphore, #tpu.memory_space<semaphore_mem>>)
      %dma_wait3A = arith.constant 0 : i32
      %dma_wait3A_19 = arith.constant 0 : i32
      %dma_wait3A_20 = tpu.memref_slice %arg3[%add3A, %dma_wait3A, %dma_wait3A_19] : memref<32x79x128xi32, #tpu.memory_space<hbm>> -> memref<1x79x128xi32, #tpu.memory_space<hbm>>
      %dma_wait3A_21 = tpu.memref_squeeze %dma_wait3A_20 : memref<1x79x128xi32, #tpu.memory_space<hbm>> -> memref<79x128xi32, #tpu.memory_space<hbm>>
      %dma_wait3A_22 = arith.constant 0 : i32
      %dma_wait3A_23 = arith.constant 0 : i32
      %dma_wait3A_24 = tpu.memref_slice %arg3[%add3A, %dma_wait3A_22, %dma_wait3A_23] : memref<32x79x128xi32, #tpu.memory_space<hbm>> -> memref<1x79x128xi32, #tpu.memory_space<hbm>>
      %dma_wait3A_25 = tpu.memref_squeeze %dma_wait3A_24 : memref<1x79x128xi32, #tpu.memory_space<hbm>> -> memref<79x128xi32, #tpu.memory_space<hbm>>
      tpu.wait_dma2 semaphore(%run_scoped3A : memref<!tpu.dma_semaphore, #tpu.memory_space<semaphore_mem>>) src(%dma_wait3A_25 : memref<79x128xi32, #tpu.memory_space<hbm>>) dst(%arg8 : memref<79x128xi32, #tpu.memory_space<vmem>>)
      tpu.yield
    }) : () -> ()
    %barrier3A = arith.constant 0 : index
    tpu.barrier barrier_id(%barrier3A)
    %scan3A = arith.constant 0 : i32
    %scan3A_3 = arith.constant 79 : i32
    %scan3A_4 = arith.addi %scan3A, %scan3A_3 : i32
    %scan3A_5 = arith.constant 1 : i32
    scf.for %scan3A_12 = %scan3A to %scan3A_4 step %scan3A_5  : i32 {
      %mul3A_13 = arith.constant 1 : i32
      %mul3A_14 = arith.muli %scan3A_12, %mul3A_13 : i32
      %add3A_15 = arith.constant 0 : i32
      %add3A_16 = arith.addi %add3A_15, %mul3A_14 : i32
      %dma_start3A = arith.constant 0 : i32
      %dma_start3A_17 = tpu.memref_slice %arg7[%add3A_16, %dma_start3A] : memref<79x128xi32, #tpu.memory_space<vmem>> -> memref<1x128xi32, #tpu.memory_space<vmem>>
      %dma_start3A_18 = tpu.memref_squeeze %dma_start3A_17 : memref<1x128xi32, #tpu.memory_space<vmem>> -> memref<128xi32, #tpu.memory_space<vmem>>
      %dma_start3A_19 = arith.constant 0 : i32
      %dma_start3A_20 = arith.constant 0 : i32
      %dma_start3A_21 = tpu.memref_slice %arg4[%dma_start3A_19, %dma_start3A_20] : memref<10240x128xf32, #tpu.memory_space<hbm>> -> memref<10240x128xf32, #tpu.memory_space<hbm>>
      tpu.enqueue_indirect_dma source(%dma_start3A_21 : memref<10240x128xf32, #tpu.memory_space<hbm>>) target(%arg9 : memref<128x128xf32, #tpu.memory_space<vmem>>) offsets(%dma_start3A_18 : memref<128xi32, #tpu.memory_space<vmem>>) semaphore(%arg11 : memref<!tpu.dma_semaphore, #tpu.memory_space<semaphore_mem>>)
      %dma_wait3A = arith.constant 0 : i32
      %dma_wait3A_22 = tpu.memref_slice %arg7[%add3A_16, %dma_wait3A] : memref<79x128xi32, #tpu.memory_space<vmem>> -> memref<1x128xi32, #tpu.memory_space<vmem>>
      %dma_wait3A_23 = tpu.memref_squeeze %dma_wait3A_22 : memref<1x128xi32, #tpu.memory_space<vmem>> -> memref<128xi32, #tpu.memory_space<vmem>>
      %dma_wait3A_24 = arith.constant 0 : i32
      %dma_wait3A_25 = arith.constant 0 : i32
      %dma_wait3A_26 = tpu.memref_slice %arg4[%dma_wait3A_24, %dma_wait3A_25] : memref<10240x128xf32, #tpu.memory_space<hbm>> -> memref<10240x128xf32, #tpu.memory_space<hbm>>
      tpu.wait_indirect_dma semaphore(%arg11 : memref<!tpu.dma_semaphore, #tpu.memory_space<semaphore_mem>>) src(%dma_wait3A_26 : memref<10240x128xf32, #tpu.memory_space<hbm>>) dst(%arg9 : memref<128x128xf32, #tpu.memory_space<vmem>>)
      "tpu.region"() ({
        %run_scoped3A = tpu.sem_alloc : memref<!tpu.dma_semaphore, #tpu.memory_space<semaphore_mem>>
        %dma_start3A_27 = arith.constant 0 : i32
        %dma_start3A_28 = tpu.memref_slice %arg8[%add3A_16, %dma_start3A_27] : memref<79x128xi32, #tpu.memory_space<vmem>> -> memref<1x128xi32, #tpu.memory_space<vmem>>
        %dma_start3A_29 = tpu.memref_squeeze %dma_start3A_28 : memref<1x128xi32, #tpu.memory_space<vmem>> -> memref<128xi32, #tpu.memory_space<vmem>>
        %dma_start3A_30 = arith.constant 0 : i32
        %dma_start3A_31 = arith.constant 0 : i32
        %dma_start3A_32 = tpu.memref_slice %arg10[%dma_start3A_30, %dma_start3A_31] : memref<10240x128xf32, #tpu.memory_space<vmem_shared>> -> memref<10240x128xf32, #tpu.memory_space<vmem_shared>>
        tpu.enqueue_indirect_dma source(%arg9 : memref<128x128xf32, #tpu.memory_space<vmem>>) target(%dma_start3A_32 : memref<10240x128xf32, #tpu.memory_space<vmem_shared>>) offsets(%dma_start3A_29 : memref<128xi32, #tpu.memory_space<vmem>>) semaphore(%run_scoped3A : memref<!tpu.dma_semaphore, #tpu.memory_space<semaphore_mem>>) {add = true}
        %dma_wait3A_33 = arith.constant 0 : i32
        %dma_wait3A_34 = tpu.memref_slice %arg8[%add3A_16, %dma_wait3A_33] : memref<79x128xi32, #tpu.memory_space<vmem>> -> memref<1x128xi32, #tpu.memory_space<vmem>>
        %dma_wait3A_35 = tpu.memref_squeeze %dma_wait3A_34 : memref<1x128xi32, #tpu.memory_space<vmem>> -> memref<128xi32, #tpu.memory_space<vmem>>
        %dma_wait3A_36 = arith.constant 0 : i32
        %dma_wait3A_37 = arith.constant 0 : i32
        %dma_wait3A_38 = tpu.memref_slice %arg10[%dma_wait3A_36, %dma_wait3A_37] : memref<10240x128xf32, #tpu.memory_space<vmem_shared>> -> memref<10240x128xf32, #tpu.memory_space<vmem_shared>>
        tpu.wait_indirect_dma semaphore(%run_scoped3A : memref<!tpu.dma_semaphore, #tpu.memory_space<semaphore_mem>>) src(%arg9 : memref<128x128xf32, #tpu.memory_space<vmem>>) dst(%dma_wait3A_38 : memref<10240x128xf32, #tpu.memory_space<vmem_shared>>)
        tpu.yield
      }) : () -> ()
    }
    %scan3A_6 = arith.constant 79 : i32
    %barrier3A_7 = arith.constant 0 : index
    tpu.barrier barrier_id(%barrier3A_7)
    %mul3A_8 = arith.constant 640 : i32
    %mul3A_9 = arith.muli %arg1, %mul3A_8 : i32
    %mul3A_10 = arith.constant 640 : i32
    %mul3A_11 = arith.muli %arg1, %mul3A_10 : i32
    "tpu.region"() ({
      %run_scoped3A = tpu.sem_alloc : memref<!tpu.dma_semaphore, #tpu.memory_space<semaphore_mem>>
      %dma_start3A = arith.constant 0 : i32
      %dma_start3A_12 = tpu.memref_slice %arg6[%arg0, %mul3A_11, %dma_start3A] : memref<2x10240x128xf32, #tpu.memory_space<hbm>> -> memref<1x640x128xf32, #tpu.memory_space<hbm>>
      %dma_start3A_13 = tpu.memref_squeeze %dma_start3A_12 : memref<1x640x128xf32, #tpu.memory_space<hbm>> -> memref<640x128xf32, #tpu.memory_space<hbm>>
      %dma_start3A_14 = arith.constant 0 : i32
      %dma_start3A_15 = tpu.memref_slice %arg10[%mul3A_9, %dma_start3A_14] : memref<10240x128xf32, #tpu.memory_space<vmem_shared>> -> memref<640x128xf32, #tpu.memory_space<vmem_shared>>
      tpu.enqueue_dma source(%dma_start3A_15 : memref<640x128xf32, #tpu.memory_space<vmem_shared>>) target(%dma_start3A_13 : memref<640x128xf32, #tpu.memory_space<hbm>>) target_semaphore(%run_scoped3A : memref<!tpu.dma_semaphore, #tpu.memory_space<semaphore_mem>>)
      %dma_wait3A = arith.constant 0 : i32
      %dma_wait3A_16 = tpu.memref_slice %arg6[%arg0, %mul3A_11, %dma_wait3A] : memref<2x10240x128xf32, #tpu.memory_space<hbm>> -> memref<1x640x128xf32, #tpu.memory_space<hbm>>
      %dma_wait3A_17 = tpu.memref_squeeze %dma_wait3A_16 : memref<1x640x128xf32, #tpu.memory_space<hbm>> -> memref<640x128xf32, #tpu.memory_space<hbm>>
      %dma_wait3A_18 = arith.constant 0 : i32
      %dma_wait3A_19 = tpu.memref_slice %arg10[%mul3A_9, %dma_wait3A_18] : memref<10240x128xf32, #tpu.memory_space<vmem_shared>> -> memref<640x128xf32, #tpu.memory_space<vmem_shared>>
      tpu.wait_dma2 semaphore(%run_scoped3A : memref<!tpu.dma_semaphore, #tpu.memory_space<semaphore_mem>>) src(%dma_wait3A_19 : memref<640x128xf32, #tpu.memory_space<vmem_shared>>) dst(%dma_wait3A_17 : memref<640x128xf32, #tpu.memory_space<hbm>>)
      tpu.yield
    }) : () -> ()
    return
  }
}

module attributes {stable_mosaic.version = 14 : i64} {
  func.func @_tc_xw_body(%arg0: i32, %arg1: memref<2048x128xf32, #tpu.memory_space<vmem>>, %arg2: memref<128x128xf32, #tpu.memory_space<vmem>>, %arg3: memref<32x2048xf32, #tpu.memory_space<vmem>>, %arg4: memref<2048x128xf32, #tpu.memory_space<vmem>>, %arg5: memref<2048xf32, #tpu.memory_space<vmem>>) attributes {dimension_semantics = [#tpu.dimension_semantics<arbitrary>], iteration_bounds = array<i64: 5>, scalar_prefetch = 0 : i64, scratch_operands = 0 : i64, tpu.core_type = #tpu.core_type<tc>, window_params = [{transform_indices = @transform_0, window_bounds = array<i64: 2048, 128>}, {pipeline_mode = #tpu.pipeline_mode<synchronous>, transform_indices = @transform_1, window_bounds = array<i64: 128, 128>}, {transform_indices = @transform_2, window_bounds = array<i64: 32, 2048>}, {transform_indices = @transform_3, window_bounds = array<i64: 2048, 128>}, {transform_indices = @transform_4, window_bounds = array<i64: 2048>}]} {
    %get3A = arith.constant 0 : index
    %get3A_0 = arith.constant 0 : index
    %get3A_1 = vector.load %arg3[%get3A, %get3A_0] : memref<32x2048xf32, #tpu.memory_space<vmem>>, vector<32x2048xf32>
    %reduce_sum3A = arith.constant dense<0.000000e+00> : vector<2048xf32>
    %reduce_sum3A_2 = vector.multi_reduction <add>, %get3A_1, %reduce_sum3A [0] : vector<32x2048xf32> to vector<2048xf32>
    %add3A = arith.constant 1.000000e+00 : f32
    %add3A_3 = vector.broadcast %add3A : f32 to vector<2048xf32>
    %add3A_4 = arith.addf %add3A_3, %reduce_sum3A_2 : vector<2048xf32>
    %max3A = arith.constant 1.000000e+00 : f32
    %max3A_5 = vector.broadcast %max3A : f32 to vector<2048xf32>
    %max3A_6 = arith.maximumf %add3A_4, %max3A_5 : vector<2048xf32>
    %rsqrt3A = math.rsqrt %max3A_6 : vector<2048xf32>
    %get3A_7 = arith.constant 0 : index
    %get3A_8 = arith.constant 0 : index
    %get3A_9 = vector.load %arg1[%get3A_7, %get3A_8] : memref<2048x128xf32, #tpu.memory_space<vmem>>, vector<2048x128xf32>
    %get3A_10 = arith.constant 0 : index
    %get3A_11 = arith.constant 0 : index
    %get3A_12 = vector.load %arg2[%get3A_10, %get3A_11] : memref<128x128xf32, #tpu.memory_space<vmem>>, vector<128x128xf32>
    %dot_general3A = arith.constant dense<0.000000e+00> : vector<2048x128xf32>
    %dot_general3A_13 = tpu.matmul %get3A_9, %get3A_12, %dot_general3A {dimension_numbers = #tpu.dot_dimension_numbers<[1], [0], [0], [1], [0, 0, 1, 1], [], []>, transpose_lhs_hint = false} : vector<2048x128xf32>, vector<128x128xf32>, vector<2048x128xf32> -> vector<2048x128xf32>
    %broadcast_in_dim3A = vector.shape_cast %rsqrt3A : vector<2048xf32> to vector<2048x1xf32>
    %mul3A = vector.broadcast %broadcast_in_dim3A : vector<2048x1xf32> to vector<2048x128xf32>
    %mul3A_14 = arith.mulf %dot_general3A_13, %mul3A : vector<2048x128xf32>
    %swap3A = arith.constant 0 : index
    %swap3A_15 = arith.constant 0 : index
    %swap3A_16 = vector.load %arg4[%swap3A, %swap3A_15] : memref<2048x128xf32, #tpu.memory_space<vmem>>, vector<2048x128xf32>
    tpu.vector_store %arg4[%swap3A, %swap3A_15], %mul3A_14 {strides = array<i32>} : memref<2048x128xf32, #tpu.memory_space<vmem>>, vector<2048x128xf32>,
    %swap3A_17 = arith.constant 0 : index
    %swap3A_18 = vector.load %arg5[%swap3A_17] : memref<2048xf32, #tpu.memory_space<vmem>>, vector<2048xf32>
    tpu.vector_store %arg5[%swap3A_17], %rsqrt3A {strides = array<i32>} : memref<2048xf32, #tpu.memory_space<vmem>>, vector<2048xf32>,
    return
  }
  func.func @transform_0(%arg0: i32) -> (i32, i32) {
    %c0_i32 = arith.constant 0 : i32
    %c0_i32_0 = arith.constant 0 : i32
    return %arg0, %c0_i32 : i32, i32
  }
  func.func @transform_1(%arg0: i32) -> (i32, i32) {
    %c0_i32 = arith.constant 0 : i32
    %c0_i32_0 = arith.constant 0 : i32
    %c0_i32_1 = arith.constant 0 : i32
    return %c0_i32, %c0_i32_0 : i32, i32
  }
  func.func @transform_2(%arg0: i32) -> (i32, i32) {
    %c0_i32 = arith.constant 0 : i32
    %c0_i32_0 = arith.constant 0 : i32
    return %c0_i32, %arg0 : i32, i32
  }
  func.func @transform_3(%arg0: i32) -> (i32, i32) {
    %c0_i32 = arith.constant 0 : i32
    %c0_i32_0 = arith.constant 0 : i32
    return %arg0, %c0_i32 : i32, i32
  }
  func.func @transform_4(%arg0: i32) -> i32 {
    %c0_i32 = arith.constant 0 : i32
    return %arg0 : i32
  }
}

module attributes {stable_mosaic.version = 14 : i64} {
  func.func @_tc_mid_body(%arg0: i32, %arg1: memref<2048x128xf32, #tpu.memory_space<vmem>>, %arg2: memref<2048x128xf32, #tpu.memory_space<vmem>>, %arg3: memref<2048x128xf32, #tpu.memory_space<vmem>>, %arg4: memref<2048xf32, #tpu.memory_space<vmem>>, %arg5: memref<128xf32, #tpu.memory_space<vmem>>, %arg6: memref<128x128xf32, #tpu.memory_space<vmem>>, %arg7: memref<2048x128xf32, #tpu.memory_space<vmem>>) attributes {dimension_semantics = [#tpu.dimension_semantics<arbitrary>], iteration_bounds = array<i64: 5>, scalar_prefetch = 0 : i64, scratch_operands = 0 : i64, tpu.core_type = #tpu.core_type<tc>, window_params = [{transform_indices = @transform_0, window_bounds = array<i64: 2048, 128>}, {transform_indices = @transform_1, window_bounds = array<i64: 2048, 128>}, {transform_indices = @transform_2, window_bounds = array<i64: 2048, 128>}, {transform_indices = @transform_3, window_bounds = array<i64: 2048>}, {pipeline_mode = #tpu.pipeline_mode<synchronous>, transform_indices = @transform_4, window_bounds = array<i64: 128>}, {pipeline_mode = #tpu.pipeline_mode<synchronous>, transform_indices = @transform_5, window_bounds = array<i64: 128, 128>}, {transform_indices = @transform_6, window_bounds = array<i64: 2048, 128>}]} {
    %get3A = arith.constant 0 : index
    %get3A_0 = vector.load %arg4[%get3A] : memref<2048xf32, #tpu.memory_space<vmem>>, vector<2048xf32>
    %get3A_1 = arith.constant 0 : index
    %get3A_2 = arith.constant 0 : index
    %get3A_3 = vector.load %arg1[%get3A_1, %get3A_2] : memref<2048x128xf32, #tpu.memory_space<vmem>>, vector<2048x128xf32>
    %get3A_4 = arith.constant 0 : index
    %get3A_5 = arith.constant 0 : index
    %get3A_6 = vector.load %arg2[%get3A_4, %get3A_5] : memref<2048x128xf32, #tpu.memory_space<vmem>>, vector<2048x128xf32>
    %add3A = arith.addf %get3A_3, %get3A_6 : vector<2048x128xf32>
    %get3A_7 = arith.constant 0 : index
    %get3A_8 = arith.constant 0 : index
    %get3A_9 = vector.load %arg3[%get3A_7, %get3A_8] : memref<2048x128xf32, #tpu.memory_space<vmem>>, vector<2048x128xf32>
    %add3A_10 = arith.addf %add3A, %get3A_9 : vector<2048x128xf32>
    %broadcast_in_dim3A = vector.shape_cast %get3A_0 : vector<2048xf32> to vector<2048x1xf32>
    %mul3A = vector.broadcast %broadcast_in_dim3A : vector<2048x1xf32> to vector<2048x128xf32>
    %mul3A_11 = arith.mulf %add3A_10, %mul3A : vector<2048x128xf32>
    %get3A_12 = arith.constant 0 : index
    %get3A_13 = vector.load %arg5[%get3A_12] : memref<128xf32, #tpu.memory_space<vmem>>, vector<128xf32>
    %broadcast_in_dim3A_14 = vector.shape_cast %get3A_13 : vector<128xf32> to vector<1x128xf32>
    %add3A_15 = vector.broadcast %broadcast_in_dim3A_14 : vector<1x128xf32> to vector<2048x128xf32>
    %add3A_16 = arith.addf %mul3A_11, %add3A_15 : vector<2048x128xf32>
    %max3A = arith.constant 0.000000e+00 : f32
    %max3A_17 = vector.broadcast %max3A : f32 to vector<2048x128xf32>
    %max3A_18 = arith.maximumf %add3A_16, %max3A_17 : vector<2048x128xf32>
    %get3A_19 = arith.constant 0 : index
    %get3A_20 = arith.constant 0 : index
    %get3A_21 = vector.load %arg6[%get3A_19, %get3A_20] : memref<128x128xf32, #tpu.memory_space<vmem>>, vector<128x128xf32>
    %dot_general3A = arith.constant dense<0.000000e+00> : vector<2048x128xf32>
    %dot_general3A_22 = tpu.matmul %max3A_18, %get3A_21, %dot_general3A {dimension_numbers = #tpu.dot_dimension_numbers<[1], [0], [0], [1], [0, 0, 1, 1], [], []>, transpose_lhs_hint = false} : vector<2048x128xf32>, vector<128x128xf32>, vector<2048x128xf32> -> vector<2048x128xf32>
    %broadcast_in_dim3A_23 = vector.shape_cast %get3A_0 : vector<2048xf32> to vector<2048x1xf32>
    %mul3A_24 = vector.broadcast %broadcast_in_dim3A_23 : vector<2048x1xf32> to vector<2048x128xf32>
    %mul3A_25 = arith.mulf %dot_general3A_22, %mul3A_24 : vector<2048x128xf32>
    %swap3A = arith.constant 0 : index
    %swap3A_26 = arith.constant 0 : index
    %swap3A_27 = vector.load %arg7[%swap3A, %swap3A_26] : memref<2048x128xf32, #tpu.memory_space<vmem>>, vector<2048x128xf32>
    tpu.vector_store %arg7[%swap3A, %swap3A_26], %mul3A_25 {strides = array<i32>} : memref<2048x128xf32, #tpu.memory_space<vmem>>, vector<2048x128xf32>,
    return
  }
  func.func @transform_0(%arg0: i32) -> (i32, i32) {
    %c0_i32 = arith.constant 0 : i32
    %c0_i32_0 = arith.constant 0 : i32
    return %arg0, %c0_i32 : i32, i32
  }
  func.func @transform_1(%arg0: i32) -> (i32, i32) {
    %c0_i32 = arith.constant 0 : i32
    %c0_i32_0 = arith.constant 0 : i32
    return %arg0, %c0_i32 : i32, i32
  }
  func.func @transform_2(%arg0: i32) -> (i32, i32) {
    %c0_i32 = arith.constant 0 : i32
    %c0_i32_0 = arith.constant 0 : i32
    return %arg0, %c0_i32 : i32, i32
  }
  func.func @transform_3(%arg0: i32) -> i32 {
    %c0_i32 = arith.constant 0 : i32
    return %arg0 : i32
  }
  func.func @transform_4(%arg0: i32) -> i32 {
    %c0_i32 = arith.constant 0 : i32
    %c0_i32_0 = arith.constant 0 : i32
    return %c0_i32 : i32
  }
  func.func @transform_5(%arg0: i32) -> (i32, i32) {
    %c0_i32 = arith.constant 0 : i32
    %c0_i32_0 = arith.constant 0 : i32
    %c0_i32_1 = arith.constant 0 : i32
    return %c0_i32, %c0_i32_0 : i32, i32
  }
  func.func @transform_6(%arg0: i32) -> (i32, i32) {
    %c0_i32 = arith.constant 0 : i32
    %c0_i32_0 = arith.constant 0 : i32
    return %arg0, %c0_i32 : i32, i32
  }
}

module attributes {stable_mosaic.version = 14 : i64} {
  func.func @_tc_h2_body(%arg0: i32, %arg1: memref<2048x128xf32, #tpu.memory_space<vmem>>, %arg2: memref<2048x128xf32, #tpu.memory_space<vmem>>, %arg3: memref<2048x128xf32, #tpu.memory_space<vmem>>, %arg4: memref<2048xf32, #tpu.memory_space<vmem>>, %arg5: memref<128xf32, #tpu.memory_space<vmem>>, %arg6: memref<2048x128xf32, #tpu.memory_space<vmem>>) attributes {dimension_semantics = [#tpu.dimension_semantics<arbitrary>], iteration_bounds = array<i64: 5>, scalar_prefetch = 0 : i64, scratch_operands = 0 : i64, tpu.core_type = #tpu.core_type<tc>, window_params = [{transform_indices = @transform_0, window_bounds = array<i64: 2048, 128>}, {transform_indices = @transform_1, window_bounds = array<i64: 2048, 128>}, {transform_indices = @transform_2, window_bounds = array<i64: 2048, 128>}, {transform_indices = @transform_3, window_bounds = array<i64: 2048>}, {pipeline_mode = #tpu.pipeline_mode<synchronous>, transform_indices = @transform_4, window_bounds = array<i64: 128>}, {transform_indices = @transform_5, window_bounds = array<i64: 2048, 128>}]} {
    %get3A = arith.constant 0 : index
    %get3A_0 = arith.constant 0 : index
    %get3A_1 = vector.load %arg1[%get3A, %get3A_0] : memref<2048x128xf32, #tpu.memory_space<vmem>>, vector<2048x128xf32>
    %get3A_2 = arith.constant 0 : index
    %get3A_3 = arith.constant 0 : index
    %get3A_4 = vector.load %arg2[%get3A_2, %get3A_3] : memref<2048x128xf32, #tpu.memory_space<vmem>>, vector<2048x128xf32>
    %add3A = arith.addf %get3A_1, %get3A_4 : vector<2048x128xf32>
    %get3A_5 = arith.constant 0 : index
    %get3A_6 = arith.constant 0 : index
    %get3A_7 = vector.load %arg3[%get3A_5, %get3A_6] : memref<2048x128xf32, #tpu.memory_space<vmem>>, vector<2048x128xf32>
    %add3A_8 = arith.addf %add3A, %get3A_7 : vector<2048x128xf32>
    %get3A_9 = arith.constant 0 : index
    %get3A_10 = vector.load %arg4[%get3A_9] : memref<2048xf32, #tpu.memory_space<vmem>>, vector<2048xf32>
    %broadcast_in_dim3A = vector.shape_cast %get3A_10 : vector<2048xf32> to vector<2048x1xf32>
    %mul3A = vector.broadcast %broadcast_in_dim3A : vector<2048x1xf32> to vector<2048x128xf32>
    %mul3A_11 = arith.mulf %add3A_8, %mul3A : vector<2048x128xf32>
    %get3A_12 = arith.constant 0 : index
    %get3A_13 = vector.load %arg5[%get3A_12] : memref<128xf32, #tpu.memory_space<vmem>>, vector<128xf32>
    %broadcast_in_dim3A_14 = vector.shape_cast %get3A_13 : vector<128xf32> to vector<1x128xf32>
    %add3A_15 = vector.broadcast %broadcast_in_dim3A_14 : vector<1x128xf32> to vector<2048x128xf32>
    %add3A_16 = arith.addf %mul3A_11, %add3A_15 : vector<2048x128xf32>
    %max3A = arith.constant 0.000000e+00 : f32
    %max3A_17 = vector.broadcast %max3A : f32 to vector<2048x128xf32>
    %max3A_18 = arith.maximumf %add3A_16, %max3A_17 : vector<2048x128xf32>
    %swap3A = arith.constant 0 : index
    %swap3A_19 = arith.constant 0 : index
    %swap3A_20 = vector.load %arg6[%swap3A, %swap3A_19] : memref<2048x128xf32, #tpu.memory_space<vmem>>, vector<2048x128xf32>
    tpu.vector_store %arg6[%swap3A, %swap3A_19], %max3A_18 {strides = array<i32>} : memref<2048x128xf32, #tpu.memory_space<vmem>>, vector<2048x128xf32>,
    return
  }
  func.func @transform_0(%arg0: i32) -> (i32, i32) {
    %c0_i32 = arith.constant 0 : i32
    %c0_i32_0 = arith.constant 0 : i32
    return %arg0, %c0_i32 : i32, i32
  }
  func.func @transform_1(%arg0: i32) -> (i32, i32) {
    %c0_i32 = arith.constant 0 : i32
    %c0_i32_0 = arith.constant 0 : i32
    return %arg0, %c0_i32 : i32, i32
  }
  func.func @transform_2(%arg0: i32) -> (i32, i32) {
    %c0_i32 = arith.constant 0 : i32
    %c0_i32_0 = arith.constant 0 : i32
    return %arg0, %c0_i32 : i32, i32
  }
  func.func @transform_3(%arg0: i32) -> i32 {
    %c0_i32 = arith.constant 0 : i32
    return %arg0 : i32
  }
  func.func @transform_4(%arg0: i32) -> i32 {
    %c0_i32 = arith.constant 0 : i32
    %c0_i32_0 = arith.constant 0 : i32
    return %c0_i32 : i32
  }
  func.func @transform_5(%arg0: i32) -> (i32, i32) {
    %c0_i32 = arith.constant 0 : i32
    %c0_i32_0 = arith.constant 0 : i32
    return %arg0, %c0_i32 : i32, i32
  }
}

module attributes {stable_mosaic.version = 14 : i64} {
  func.func @_tc_head_body(%arg0: memref<32x64x128xf32, #tpu.memory_space<vmem>>, %arg1: memref<128x128xf32, #tpu.memory_space<vmem>>, %arg2: memref<128xf32, #tpu.memory_space<vmem>>, %arg3: memref<128x128xf32, #tpu.memory_space<vmem>>, %arg4: memref<128xf32, #tpu.memory_space<vmem>>, %arg5: memref<64x128xf32, #tpu.memory_space<vmem>>) attributes {dimension_semantics = [], scalar_prefetch = 0 : i64, scratch_operands = 0 : i64, tpu.core_type = #tpu.core_type<tc>} {
    %get3A = arith.constant 0 : index
    %get3A_0 = arith.constant 0 : index
    %get3A_1 = arith.constant 0 : index
    %get3A_2 = vector.load %arg0[%get3A, %get3A_0, %get3A_1] : memref<32x64x128xf32, #tpu.memory_space<vmem>>, vector<32x64x128xf32>
    %reduce_max3A = arith.constant dense<0xFF800000> : vector<64x128xf32>
    %reduce_max3A_3 = vector.multi_reduction <maximumf>, %get3A_2, %reduce_max3A [0] : vector<32x64x128xf32> to vector<64x128xf32>
    %get3A_4 = arith.constant 0 : index
    %get3A_5 = arith.constant 0 : index
    %get3A_6 = vector.load %arg1[%get3A_4, %get3A_5] : memref<128x128xf32, #tpu.memory_space<vmem>>, vector<128x128xf32>
    %dot_general3A = arith.constant dense<0.000000e+00> : vector<64x128xf32>
    %dot_general3A_7 = tpu.matmul %reduce_max3A_3, %get3A_6, %dot_general3A {dimension_numbers = #tpu.dot_dimension_numbers<[1], [0], [0], [1], [0, 0, 1, 1], [], []>, transpose_lhs_hint = false} : vector<64x128xf32>, vector<128x128xf32>, vector<64x128xf32> -> vector<64x128xf32>
    %get3A_8 = arith.constant 0 : index
    %get3A_9 = vector.load %arg2[%get3A_8] : memref<128xf32, #tpu.memory_space<vmem>>, vector<128xf32>
    %broadcast_in_dim3A = vector.shape_cast %get3A_9 : vector<128xf32> to vector<1x128xf32>
    %add3A = vector.broadcast %broadcast_in_dim3A : vector<1x128xf32> to vector<64x128xf32>
    %add3A_10 = arith.addf %dot_general3A_7, %add3A : vector<64x128xf32>
    %max3A = arith.constant 0.000000e+00 : f32
    %max3A_11 = vector.broadcast %max3A : f32 to vector<64x128xf32>
    %max3A_12 = arith.maximumf %add3A_10, %max3A_11 : vector<64x128xf32>
    %get3A_13 = arith.constant 0 : index
    %get3A_14 = arith.constant 0 : index
    %get3A_15 = vector.load %arg3[%get3A_13, %get3A_14] : memref<128x128xf32, #tpu.memory_space<vmem>>, vector<128x128xf32>
    %dot_general3A_16 = arith.constant dense<0.000000e+00> : vector<64x128xf32>
    %dot_general3A_17 = tpu.matmul %max3A_12, %get3A_15, %dot_general3A_16 {dimension_numbers = #tpu.dot_dimension_numbers<[1], [0], [0], [1], [0, 0, 1, 1], [], []>, transpose_lhs_hint = false} : vector<64x128xf32>, vector<128x128xf32>, vector<64x128xf32> -> vector<64x128xf32>
    %get3A_18 = arith.constant 0 : index
    %get3A_19 = vector.load %arg4[%get3A_18] : memref<128xf32, #tpu.memory_space<vmem>>, vector<128xf32>
    %broadcast_in_dim3A_20 = vector.shape_cast %get3A_19 : vector<128xf32> to vector<1x128xf32>
    %add3A_21 = vector.broadcast %broadcast_in_dim3A_20 : vector<1x128xf32> to vector<64x128xf32>
    %add3A_22 = arith.addf %dot_general3A_17, %add3A_21 : vector<64x128xf32>
    %iota3A = tpu.iota {dimensions = array<i32: 1>} : vector<64x128xi32>
    %lt3A = arith.constant 2 : i32
    %lt3A_23 = vector.broadcast %lt3A : i32 to vector<64x128xi32>
    %lt3A_24 = arith.cmpi slt, %iota3A, %lt3A_23 : vector<64x128xi32>
    %jit3A = arith.constant -3.000000e+38 : f32
    %broadcast_in_dim3A_25 = vector.broadcast %jit3A : f32 to vector<64x128xf32>
    %select_n3A = arith.select %lt3A_24, %add3A_22, %broadcast_in_dim3A_25 : vector<64x128xi1>, vector<64x128xf32>
    %reduce_max3A_26 = arith.constant dense<0xFF800000> : vector<64xf32>
    %reduce_max3A_27 = vector.multi_reduction <maximumf>, %select_n3A, %reduce_max3A_26 [1] : vector<64x128xf32> to vector<64xf32>
    %broadcast_in_dim3A_28 = vector.shape_cast %reduce_max3A_27 : vector<64xf32> to vector<64x1xf32>
    %sub3A = vector.broadcast %broadcast_in_dim3A_28 : vector<64x1xf32> to vector<64x128xf32>
    %sub3A_29 = arith.subf %select_n3A, %sub3A : vector<64x128xf32>
    %exp3A = math.exp %sub3A_29 : vector<64x128xf32>
    %jit3A_30 = arith.constant 0.000000e+00 : f32
    %broadcast_in_dim3A_31 = vector.broadcast %jit3A_30 : f32 to vector<64x128xf32>
    %select_n3A_32 = arith.select %lt3A_24, %exp3A, %broadcast_in_dim3A_31 : vector<64x128xi1>, vector<64x128xf32>
    %reduce_sum3A = arith.constant dense<0.000000e+00> : vector<64xf32>
    %reduce_sum3A_33 = vector.multi_reduction <add>, %select_n3A_32, %reduce_sum3A [1] : vector<64x128xf32> to vector<64xf32>
    %broadcast_in_dim3A_34 = vector.shape_cast %reduce_sum3A_33 : vector<64xf32> to vector<64x1xf32>
    %log3A = math.log %broadcast_in_dim3A_34 : vector<64x1xf32>
    %add3A_35 = arith.addf %broadcast_in_dim3A_28, %log3A : vector<64x1xf32>
    %sub3A_36 = vector.broadcast %add3A_35 : vector<64x1xf32> to vector<64x128xf32>
    %sub3A_37 = arith.subf %add3A_22, %sub3A_36 : vector<64x128xf32>
    %swap3A = arith.constant 0 : index
    %swap3A_38 = arith.constant 0 : index
    %swap3A_39 = vector.load %arg5[%swap3A, %swap3A_38] : memref<64x128xf32, #tpu.memory_space<vmem>>, vector<64x128xf32>
    tpu.vector_store %arg5[%swap3A, %swap3A_38], %sub3A_37 {strides = array<i32>} : memref<64x128xf32, #tpu.memory_space<vmem>>, vector<64x128xf32>,
    return
  }
}

</mosaic_0001>

<sc_bundles>
// kernel: kernel.10.cloned.1.call-start
scs
__scs_entry_jumppad:
0x0: {  	(pc) =	sbr.rel $0x88, $3  }
0x1: {  	(tag) =	ssettag $0x0;
	lr =	simm.s32 $0x1  }
0x2: {  	[smem:$0x3F96] =	sst lr;
	_ =	strace $0xD0000000  }
0x3: {  	_ = 	snop  }
0x4: {  	_ = 	snop  }
0x5: {  	_ = 	snop  }
0x6: {  	_ = 	snop  }
0x7: {  	_ = 	snop  }
__scs_overlays_trampoline_lowered:
0x8: {  	[smem:$0x3FA5] =	sst s0  }
0x9: {  	[smem:$0x3FA6] =	sst s1  }
0xa: {  	[smem:$0x3FA7] =	sst s2  }
0xb: {  	[smem:$0x3FA8] =	sst s3  }
0xc: {  	[smem:$0x3FA9] =	sst s4  }
0xd: {  	[smem:$0x3FAA] =	sst s5  }
0xe: {  	[smem:$0x3FAB] =	sst s6  }
0xf: {  	[smem:$0x3FAC] =	sst s7  }
0x10: {  	[smem:$0x3FAD] =	sst s8  }
0x11: {  	[smem:$0x3FAE] =	sst s9;
	s0 =	simm.s32 @!p0 $0x0  }
0x12: {  	s1 =	sld [smem:$0x3F94];
	s0 =	simm.s32 @p0 $0x1  }
0x13: {  	[smem:$0x3FAF] =	sst s0;
	s0 =	simm.s32 @!p1 $0x0  }
0x14: {  	s2 =	sld [smem:$0x3F93];
	s0 =	simm.s32 @p1 $0x1  }
0x15: {  	[smem:$0x3FB0] =	sst s0;
	s0 =	simm.s32 @!p2 $0x0  }
0x16: {  	s3 =	sld [smem:$0x3FDB];
	s0 =	simm.s32 @p2 $0x1  }
0x17: {  	s4 =	simm.s32 $0x1BF5;
	[smem:$0x3FB2] =	sst s0  }
0x18: {  	s0 =	sld [smem:$0x3F95];
	_ =	swait.ge [sflag:s4], $0x0  }
0x19: {  	s7 =	sld [smem:$0x3F96]  }
0x1a: {  	s8 =	sadd.s32 $0xFFFFE003, lr  }
0x1b: {  	s9 =	sadd.s32 $0xFFFFFEF7, lr;
	s5 =	simm.s32 $0xFFFFFFFF;
	p2 =	slt.u32 s8, $0xFFFFF086  }
0x1c: {  	p1 =	slt.u32 s9, $0xF7A;
	s5 =	simm.s32 @!p2 $0x0  }
0x1d: {  	s5 =	simm.s32 @p1 $0x1;
	p0 =	seq.s32 s7, s2  }
0x1e: {  	s7 =	smul.u32 @!p0 $0xF7A, s2;
	p2 =	seq.s32 @!p0 s5, $0x0  }
0x1f: {  	s9 =	smul.u32 $0xF7A, s1;
	s8 =	simm.s32 @!p0 $0x1BF5;
	p2 =	por !p2, p0  }
0x20: {  	[sflag:s8] =	ssyncset.s32 @!p0 $0xFFFFF086;
	s6 =	sadd.s32 @!p0 s3, s7;
	s7 =	simm.s32 @!p0 $0x108  }
0x21: {  	s3 =	sadd.s32 s3, s9;
	s6 =	sadd.s32 @!p0 $0x88, s6;
	s7 =	simm.s32 @p2 $0x1082  }
0x22: {  	[simem:s7], [sflag:s8] =	dma.local @!p0 [hbm:s6], $0xF7A  }
0x23: {  	s9 =	sor.u32 $0xD0000000, s2;
	s6 =	simm.s32 $0x108;
	_ =	swait.ge @!p0 [sflag:s8], $0x0  }
0x24: {  	s3 =	sadd.s32 $0x88, s3;
	s6 =	simm.s32 @!p1 $0x1082;
	[sflag:s4] =	ssyncset.s32 $0xFFFFF086  }
0x25: {  	[simem:s6], [sflag:s4] =	dma.local [hbm:s3], $0xF7A  }
0x26: {  	[smem:$0x3F96] =	sst s1;
	(tag) =	ssettag s2;
	_ =	strace s9  }
0x27: {  	s1 =	sld [smem:$0x3FA6]  }
0x28: {  	s2 =	sld [smem:$0x3FA7]  }
0x29: {  	s4 =	sld [smem:$0x3FA9]  }
0x2a: {  	p0 =	seq.s32 s5, $0x0;
	s5 =	sld [smem:$0x3FAA]  }
0x2b: {  	s6 =	sld [smem:$0x3FAB]  }
0x2c: {  	s7 =	sld [smem:$0x3FAC]  }
0x2d: {  	s3 =	simm.s32 $0x108;
	s8 =	sld [smem:$0x3FAD]  }
0x2e: {  	s3 =	simm.s32 @!p0 $0x1082;
	s9 =	sld [smem:$0x3FAE]  }
0x2f: {  	lr =	sadd.s32 s0, s3;
	s0 =	sld [smem:$0x3FA5]  }
0x30: {  	s3 =	sld [smem:$0x3FA8]  }
0x31: {  	[smem:$0x3FB1] =	sst s10  }
0x32: {  	s10 =	sld [smem:$0x3FAF];
	_ =	sdelay $0x3  }
0x33: {  	p0 =	seq.s32 s10, $0x1;
	s10 =	sld [smem:$0x3FB1];
	_ =	sdelay $0x3  }
0x34: {  	[smem:$0x3FB1] =	sst s10  }
0x35: {  	s10 =	sld [smem:$0x3FB0];
	_ =	sdelay $0x3  }
0x36: {  	p1 =	seq.s32 s10, $0x1;
	s10 =	sld [smem:$0x3FB1];
	_ =	sdelay $0x3  }
0x37: {  	[smem:$0x3FB1] =	sst s10  }
0x38: {  	s10 =	sld [smem:$0x3FB2]  }
0x39: {  	_ = 	snop;
	(pc) =	sbr.ind lr, $3  }
0x3a: {  	_ = 	snop  }
0x3b: {  	_ = 	snop  }
0x3c: {  	p2 =	seq.s32 s10, $0x1;
	s10 =	sld [smem:$0x3FB1]  }
0x3d: {  	_ =	shalt  }
0x3e: {  	_ =	shalt  }
0x3f: {  	_ =	shalt  }
0x40: {  	_ =	shalt  }
0x41: {  	_ =	shalt  }
0x42: {  	_ =	shalt  }
0x43: {  	_ =	shalt  }
0x44: {  	_ =	shalt  }
0x45: {  	_ =	shalt  }
0x46: {  	_ =	shalt  }
0x47: {  	_ =	shalt  }
0x48: {  	_ =	shalt  }
0x49: {  	_ =	shalt  }
0x4a: {  	_ =	shalt  }
0x4b: {  	_ =	shalt  }
0x4c: {  	_ =	shalt  }
0x4d: {  	_ =	shalt  }
0x4e: {  	_ =	shalt  }
0x4f: {  	_ =	shalt  }
0x50: {  	_ =	shalt  }
0x51: {  	_ =	shalt  }
0x52: {  	_ =	shalt  }
0x53: {  	_ =	shalt  }
0x54: {  	_ =	shalt  }
0x55: {  	_ =	shalt  }
0x56: {  	_ =	shalt  }
0x57: {  	_ =	shalt  }
0x58: {  	_ =	shalt  }
0x59: {  	_ =	shalt  }
0x5a: {  	_ =	shalt  }
0x5b: {  	_ =	shalt  }
0x5c: {  	_ =	shalt  }
0x5d: {  	_ =	shalt  }
0x5e: {  	_ =	shalt  }
0x5f: {  	_ =	shalt  }
0x60: {  	_ =	shalt  }
0x61: {  	_ =	shalt  }
0x62: {  	_ =	shalt  }
0x63: {  	_ =	shalt  }
0x64: {  	_ =	shalt  }
0x65: {  	_ =	shalt  }
0x66: {  	_ =	shalt  }
0x67: {  	_ =	shalt  }
0x68: {  	_ =	shalt  }
0x69: {  	_ =	shalt  }
0x6a: {  	_ =	shalt  }
0x6b: {  	_ =	shalt  }
0x6c: {  	_ =	shalt  }
0x6d: {  	_ =	shalt  }
0x6e: {  	_ =	shalt  }
0x6f: {  	_ =	shalt  }
0x70: {  	_ =	shalt  }
0x71: {  	_ =	shalt  }
0x72: {  	_ =	shalt  }
0x73: {  	_ =	shalt  }
0x74: {  	_ =	shalt  }
0x75: {  	_ =	shalt  }
0x76: {  	_ =	shalt  }
0x77: {  	_ =	shalt  }
0x78: {  	_ =	shalt  }
0x79: {  	_ =	shalt  }
0x7a: {  	_ =	shalt  }
0x7b: {  	_ =	shalt  }
0x7c: {  	_ =	shalt  }
0x7d: {  	_ =	shalt  }
0x7e: {  	_ =	shalt  }
0x7f: {  	_ =	shalt  }
0x80: {  	_ =	shalt  }
0x81: {  	_ =	shalt  }
0x82: {  	_ =	shalt  }
0x83: {  	_ =	shalt  }
0x84: {  	_ =	shalt  }
0x85: {  	_ =	shalt  }
0x86: {  	_ =	shalt  }
0x87: {  	_ =	shalt  }
.Lfunc_end0:
.L_simem_size_0:
called_computation_lowered:
.L_overlay_start_0:
0x88: {  	s2 =	sld [smem:$0x3FD9]  }
0x89: {  	s3 =	sld [smem:$0x3FFE];
	_ =	sdelay $0x1  }
0x8a: {  	s1 =	srdreg.scid  }
0x8b: {  	s0 =	sand.u32 $0x1, s1  }
0x8c: {  	s16 =	sshll.u32 s0, $0xA;
	s2 =	sadd.s32 s3, s2  }
0x8d: {  	s2 =	sadd.s32 s2, s16  }
0x8e: {  	[smem:$0x3FBD] =	sst s2  }
0x8f: {  	_ = 	snop  }
0x90: {  	(tm) =	ssettm $0x1  }
0x91: {  	s17 =	sld [smem:$0x3FFB];
	_ =	sdelay $0x3  }
0x92: {  	_ =	strace s17  }
0x93: {  	s2 =	sld [smem:$0x3FFC];
	_ =	sdelay $0x3  }
0x94: {  	_ =	strace s2  }
0x95: {  	s2 =	sld [smem:$0x3FFD];
	_ =	sdelay $0x3  }
0x96: {  	_ =	strace s2  }
0x97: {  	_ =	strace $0x8FFFFFFF  }
0x98: {  	s18 =	sld [smem:$0x3FDB];
	_ =	sdelay $0x1  }
0x99: {  	s19 =	simm.s32 $_scs_section_size  }
0x9a: {  	s4 =	simm.s32 $_size__tile_overlayer_lowered;
	s5 =	simm.s32 $_tile_overlayer_lowered  }
0x9b: {  	s22 =	simm.s32 $0x1BFF;
	s21 =	sshll.u32 s5, $0x1;
	s2 =	sadd.s32 s19, s18  }
0x9c: {  	s6 =	simm.s32 $0x0;
	s20 =	sshll.u32 s4, $0x1;
	s4 =	sadd.s32 s21, s2  }
0x9d: {  	[timem:s6], [sflag:s22] =	dma.local [hbm:s4], s20  }
0x9e: {  	_ =	swait.ge [sflag:s22], s20  }
0x9f: {  	s3 =	ssub.s32 $0x0, s20;
	[sflag:s22] =	ssyncset.done $0x0  }
0xa0: {  	[sflag:s22] =	ssyncadd.s32 s3;
	_ =	sdelay $0x1  }
0xa1: {  	s23 =	simm.s32 $0x1B8B  }
0xa2: {  	_ =	swait.ge [sflag:s23], $0x1  }
0xa3: {  	[sflag:s23] =	ssyncset.done $0x0  }
0xa4: {  	s25 =	simm.s32 $0x1B8E;
	s24 =	sld [smem:$0x3FFE];
	[sflag:s23] =	ssyncadd.s32 $0xFFFFFFFF  }
0xa5: {  	s26 =	simm.s32 $execute0_lowered;
	[smem:$0x3FD2] =	sst s25  }
0xa6: {  	s4 =	sshll.u32 s26, $0x1;
	_ =	strace $0x80000046;
	[dreg:$0x1] =	wrdreg $0xFFFFFFFF  }
0xa7: {  	s28 =	simm.s32 $_size_execute0_lowered;
	s2 =	sadd.s32 s2, s4;
	[dreg:$0x0] =	wrdreg $0x0  }
0xa8: {  	s4 =	sshll.u32 s28, $0x1;
	[dreg:$0x2] =	wrdreg s2  }
0xa9: {  	[dreg:$0x3] =	wrdreg s4  }
0xaa: {  	[dreg:$0x4] =	wrdreg $0xC0  }
0xab: {  	_ =	task [dreg:s6], $0x5FFFF  }
0xac: {  	[dreg:$0x1] =	wrdreg $0xFFFFFFFF  }
0xad: {  	[dreg:$0x0] =	wrdreg $0x60  }
0xae: {  	[dreg:$0x2] =	wrdreg s24  }
0xaf: {  	[dreg:$0x3] =	wrdreg $0x9  }
0xb0: {  	_ =	task.clear_ibuf [dreg:s6], $0x4FFFF;
	_ =	strace $0x90000046  }
0xb1: {  	s29 =	simm.s32 $0x9;
	_ =	strace $0x80000048  }
0xb2: {  	_ =	swait.ge [sflag:s29], $0x1  }
0xb3: {  	[sflag:s29] =	ssyncadd.s32 $0xFFFFFFFF  }
0xb4: {  	_ =	strace $0x90000048  }
0xb5: {  	_ =	sfence  }
0xb6: {  	s30 =	sld [smem:$0x0];
	_ =	sdelay $0x2  }
0xb7: {  	s31 =	sshll.u32 s1, $0xD;
	s1 =	sshrl.u32 s1, $0x2  }
0xb8: {  	s3 =	sand.u32 $0x4000, s31;
	s1 =	sadd.s32 s1, s30  }
0xb9: {  	s0 =	sor.u32 s3, s0;
	s1 =	sshll.u32 s1, $0x11  }
0xba: {  	s0 =	sor.u32 s1, s0  }
0xbb: {  	s0 =	sadd.s32 $0x8F2B, s0  }
0xbc: {  	[sflag:s0] =	ssyncadd.remote.s32 $0x1  }
0xbd: {  	_ =	sfence.sel $0xFFFF  }
0xbe: {  	[dreg:$0x0] =	wrdreg $0xFFFFFFFF;
	(pc) =	sbr.abs _section_cstart, $3  }
0xbf: {  	[dreg:$0x1] =	wrdreg $0xFFFFFFFF  }
0xc0: {  	_ =	task.clear_ibuf [dreg:s6], $0x2FFFF;
	_ =	strace $0x9FFFFFFF  }
0xc1: {  	(tm) =	ssettm $0x7FFFFFFF  }
tec
execute0_lowered:
.L_overlay_start_1:
0x0: {  	(tag) =	ssettag $0x1  }
0x1: {  	s0 =	srdreg.scid  }
0x2: {  	s4 =	rddreg [dreg:$0x0];
	s2 =	simm.s32 $0x0;
	s3 =	sand.u32 $0x1, s0  }
0x3: {  	s8 =	simm.s32 $0x1;
	s0 =	stileid.u32;
	s1 =	sshll.u32 s3, $0x4  }
0x4: {  	s9 =	simm.s32 $0x80;
	s10 =	simm.s32 $0x400;
	s5 =	sor.u32 s0, s1  }
0x5: {  	s11 =	simm.s32 $0x0;
	[smem:$0x7FF] =	sst s2;
	s6 =	sshrl.u32 s5, $0x3  }
0x6: {  	s7 =	sshll.u32 s0, $0x7;
	s30 =	ssub.s32 $0x2, s3;
	s6 =	smul.u32 $0x14000, s6  }
0x7: {  	s3 =	sadd.s32 $0xDA00, s4;
	s7 =	sand.u32 $0x380, s7;
	s5 =	smul.u32 $0x500, s5  }
0x8: {  	s1 =	rddreg [dreg:$0x1];
	_ =	strace $0x80000047;
	s6 =	sor.u32 s7, s6  }
0x9: {  	s31 =	sshrl.u32 s30, $0x1;
	s5 =	sadd.s32 s5, s4;
	s6 =	sshrl.u32 s6, $0x3  }
0xa: {  	s7 =	ssub.s32 s30, s31;
	s6 =	sadd.s32 s6, s4;
	s4 =	sadd.s32 $0x3A00, s5  }
0xb: {  	v0 =	vimm.f32 $1.000000000e+00;
	s5 =	sadd.s32 $0xE000, s6;
	s6 =	smax.u32 s7, $0x1;
	s7 =	simm.s32 $0x2800  }
.LBB2_1:
0xc: {  	[tilespmem:s7], [sflag:$0x1] =	stream.linear.gather [hbm4b:s3+s2], $0x2800, $0x38;
	[tilespmem:$0x5000] =	vst v63  }
0xd: {  	_ =	swait.ge [sflag:s8], $0x2800  }
0xe: {  	[sflag:s8] =	ssyncset.done $0x0  }
0xf: {  	[sflag:s8] =	ssyncadd.s32 $0xFFFFD800  }
0x10: {  	[tilespmem:s2], [sflag:$0x1] =	stream.linear.gather [hbm4b:s4+s2], $0x2780, $0x38;
	[tilespmem:$0x5000] =	vst v63  }
0x11: {  	_ =	swait.ge [sflag:s8], $0x2780  }
0x12: {  	[sflag:s8] =	ssyncset.done $0x0  }
0x13: {  	s12 =	simm.s32 $0x0;
	[sflag:s8] =	ssyncadd.s32 $0xFFFFD880  }
.LBB2_2:
0x14: {  	s13 =	sshra.s32 s12, $0x2  }
0x15: {  	v1 =	vld [tilespmem:s13+$0x0];
	_ =	sdelay $0x7  }
0x16: {  	[tilespmem:v1+s7+$0x0] =	vst.idx.add.f32.msk $0xffff, v0  }
0x17: {  	v1 =	vld [tilespmem:s13+$0x10];
	_ =	sdelay $0x7  }
0x18: {  	[tilespmem:v1+s7+$0x0] =	vst.idx.add.f32.msk $0xffff, v0  }
0x19: {  	v1 =	vld [tilespmem:s13+$0x20];
	_ =	sdelay $0x7  }
0x1a: {  	[tilespmem:v1+s7+$0x0] =	vst.idx.add.f32.msk $0xffff, v0  }
0x1b: {  	v1 =	vld [tilespmem:s13+$0x30];
	_ =	sdelay $0x7  }
0x1c: {  	[tilespmem:v1+s7+$0x0] =	vst.idx.add.f32.msk $0xffff, v0  }
0x1d: {  	v1 =	vld [tilespmem:s13+$0x40];
	_ =	sdelay $0x7  }
0x1e: {  	[tilespmem:v1+s7+$0x0] =	vst.idx.add.f32.msk $0xffff, v0  }
0x1f: {  	v1 =	vld [tilespmem:s13+$0x50];
	_ =	sdelay $0x7  }
0x20: {  	[tilespmem:v1+s7+$0x0] =	vst.idx.add.f32.msk $0xffff, v0  }
0x21: {  	v1 =	vld [tilespmem:s13+$0x60];
	_ =	sdelay $0x7  }
0x22: {  	[tilespmem:v1+s7+$0x0] =	vst.idx.add.f32.msk $0xffff, v0  }
0x23: {  	v1 =	vld [tilespmem:s13+$0x70];
	_ =	sdelay $0x2  }
0x24: {  	p0 =	sne.s32 s12, $0x9C00  }
.Ltmp0:
0x25: {  	_ = 	snop;
	(pc) =	sbr.rel @p0 .LBB2_2-.Ltmp0, $2  }
0x26: {  	_ =	sdelay $0x2  }
0x27: {  	s12 =	sadd.s32 $0x200, s12;
	[tilespmem:v1+s7+$0x0] =	vst.idx.add.f32.msk $0xffff, v0  }
0x28: {  	s11 =	sadd.s32 $0x1, s11  }
0x29: {  	p0 =	sne.s32 s11, s6  }
.Ltmp1:
0x2a: {  	_ = 	snop;
	(pc) =	sbr.rel @p0 .LBB2_1-.Ltmp1, $4  }
0x2b: {  	[hbm4b:s5+s9] =	stream.strided.scatter [tilespmem:s7], [sflag:$0x1], $0x2800, s10, s9, $0x38;
	[tilespmem:$0x5000] =	vst v63  }
0x2c: {  	_ =	swait.ge [sflag:s8], $0x2800  }
0x2d: {  	[sflag:s8] =	ssyncset.done $0x0  }
0x2e: {  	[sflag:s8] =	ssyncadd.s32 $0xFFFFD800  }
0x2f: {  	_ =	sfence.sel $0x180000  }
0x30: {  	[bflag:$0x0] =	sbarrier.arrive $0xFFFF  }
0x31: {  	p0 =	sne.s32 s0, $0x0;
	_ =	strace $0x90000047  }
0x32: {  	s0 =	sadd.s32 @!p0 $0x100000, s1;
	[bflag:$0x2] =	sbarrier.arrive $0xFFFF  }
0x33: {  	[sflag:s0] =	ssyncadd.tile.s32 @!p0 $0x1;
	_ =	shalt  }
.Lfunc_end2:
_tile_overlayer_lowered:
.L_overlay_start_2:
0x34: {  	(tag) =	ssettag $0x2  }
0x35: {  	s0 =	rddreg [dreg:$0x0];
	s2 =	stileid.u32  }
0x36: {  	s1 =	rddreg [dreg:$0x1];
	p0 =	sne.s32 s2, $0x0  }
0x37: {  	s3 =	rddreg [dreg:$0x2];
	[bflag:$0x3] =	sbarrier.arrive $0xFFFF;
	s2 =	simm.s32 @!p0 $0x1C01  }
0x38: {  	[timem:s3], [sflag:s2] =	dma.local @!p0 [hbm:s0], s1  }
0x39: {  	s0 =	simm.s32 @!p0 $0x1  }
0x3a: {  	_ =	swait.ge @!p0 [sflag:s0], s1  }
0x3b: {  	s1 =	ssub.s32 @!p0 $0x0, s1;
	[sflag:s0] =	ssyncset.done @!p0 $0x0  }
0x3c: {  	[sflag:s0] =	ssyncadd.s32 @!p0 s1  }
0x3d: {  	[bflag:$0x3] =	sbarrier.arrive $0xFFFF  }
0x3e: {  	_ =	shalt  }

// kernel: kernel.13.cloned.1.call-start
scs
__scs_entry_jumppad:
0x0: {  	(pc) =	sbr.rel $0x88, $3  }
0x1: {  	(tag) =	ssettag $0x0;
	lr =	simm.s32 $0x1  }
0x2: {  	[smem:$0x3F96] =	sst lr;
	_ =	strace $0xD0000000  }
0x3: {  	_ = 	snop  }
0x4: {  	_ = 	snop  }
0x5: {  	_ = 	snop  }
0x6: {  	_ = 	snop  }
0x7: {  	_ = 	snop  }
__scs_overlays_trampoline_lowered:
0x8: {  	[smem:$0x3FA5] =	sst s0  }
0x9: {  	[smem:$0x3FA6] =	sst s1  }
0xa: {  	[smem:$0x3FA7] =	sst s2  }
0xb: {  	[smem:$0x3FA8] =	sst s3  }
0xc: {  	[smem:$0x3FA9] =	sst s4  }
0xd: {  	[smem:$0x3FAA] =	sst s5  }
0xe: {  	[smem:$0x3FAB] =	sst s6  }
0xf: {  	[smem:$0x3FAC] =	sst s7  }
0x10: {  	[smem:$0x3FAD] =	sst s8  }
0x11: {  	[smem:$0x3FAE] =	sst s9;
	s0 =	simm.s32 @!p0 $0x0  }
0x12: {  	s1 =	sld [smem:$0x3F94];
	s0 =	simm.s32 @p0 $0x1  }
0x13: {  	[smem:$0x3FAF] =	sst s0;
	s0 =	simm.s32 @!p1 $0x0  }
0x14: {  	s2 =	sld [smem:$0x3F93];
	s0 =	simm.s32 @p1 $0x1  }
0x15: {  	[smem:$0x3FB0] =	sst s0;
	s0 =	simm.s32 @!p2 $0x0  }
0x16: {  	s3 =	sld [smem:$0x3FDB];
	s0 =	simm.s32 @p2 $0x1  }
0x17: {  	s4 =	simm.s32 $0x1BF5;
	[smem:$0x3FB2] =	sst s0  }
0x18: {  	s0 =	sld [smem:$0x3F95];
	_ =	swait.ge [sflag:s4], $0x0  }
0x19: {  	s7 =	sld [smem:$0x3F96]  }
0x1a: {  	s8 =	sadd.s32 $0xFFFFE003, lr  }
0x1b: {  	s9 =	sadd.s32 $0xFFFFFEF7, lr;
	s5 =	simm.s32 $0xFFFFFFFF;
	p2 =	slt.u32 s8, $0xFFFFF086  }
0x1c: {  	p1 =	slt.u32 s9, $0xF7A;
	s5 =	simm.s32 @!p2 $0x0  }
0x1d: {  	s5 =	simm.s32 @p1 $0x1;
	p0 =	seq.s32 s7, s2  }
0x1e: {  	s7 =	smul.u32 @!p0 $0xF7A, s2;
	p2 =	seq.s32 @!p0 s5, $0x0  }
0x1f: {  	s9 =	smul.u32 $0xF7A, s1;
	s8 =	simm.s32 @!p0 $0x1BF5;
	p2 =	por !p2, p0  }
0x20: {  	[sflag:s8] =	ssyncset.s32 @!p0 $0xFFFFF086;
	s6 =	sadd.s32 @!p0 s3, s7;
	s7 =	simm.s32 @!p0 $0x108  }
0x21: {  	s3 =	sadd.s32 s3, s9;
	s6 =	sadd.s32 @!p0 $0x88, s6;
	s7 =	simm.s32 @p2 $0x1082  }
0x22: {  	[simem:s7], [sflag:s8] =	dma.local @!p0 [hbm:s6], $0xF7A  }
0x23: {  	s9 =	sor.u32 $0xD0000000, s2;
	s6 =	simm.s32 $0x108;
	_ =	swait.ge @!p0 [sflag:s8], $0x0  }
0x24: {  	s3 =	sadd.s32 $0x88, s3;
	s6 =	simm.s32 @!p1 $0x1082;
	[sflag:s4] =	ssyncset.s32 $0xFFFFF086  }
0x25: {  	[simem:s6], [sflag:s4] =	dma.local [hbm:s3], $0xF7A  }
0x26: {  	[smem:$0x3F96] =	sst s1;
	(tag) =	ssettag s2;
	_ =	strace s9  }
0x27: {  	s1 =	sld [smem:$0x3FA6]  }
0x28: {  	s2 =	sld [smem:$0x3FA7]  }
0x29: {  	s4 =	sld [smem:$0x3FA9]  }
0x2a: {  	p0 =	seq.s32 s5, $0x0;
	s5 =	sld [smem:$0x3FAA]  }
0x2b: {  	s6 =	sld [smem:$0x3FAB]  }
0x2c: {  	s7 =	sld [smem:$0x3FAC]  }
0x2d: {  	s3 =	simm.s32 $0x108;
	s8 =	sld [smem:$0x3FAD]  }
0x2e: {  	s3 =	simm.s32 @!p0 $0x1082;
	s9 =	sld [smem:$0x3FAE]  }
0x2f: {  	lr =	sadd.s32 s0, s3;
	s0 =	sld [smem:$0x3FA5]  }
0x30: {  	s3 =	sld [smem:$0x3FA8]  }
0x31: {  	[smem:$0x3FB1] =	sst s10  }
0x32: {  	s10 =	sld [smem:$0x3FAF];
	_ =	sdelay $0x3  }
0x33: {  	p0 =	seq.s32 s10, $0x1;
	s10 =	sld [smem:$0x3FB1];
	_ =	sdelay $0x3  }
0x34: {  	[smem:$0x3FB1] =	sst s10  }
0x35: {  	s10 =	sld [smem:$0x3FB0];
	_ =	sdelay $0x3  }
0x36: {  	p1 =	seq.s32 s10, $0x1;
	s10 =	sld [smem:$0x3FB1];
	_ =	sdelay $0x3  }
0x37: {  	[smem:$0x3FB1] =	sst s10  }
0x38: {  	s10 =	sld [smem:$0x3FB2]  }
0x39: {  	_ = 	snop;
	(pc) =	sbr.ind lr, $3  }
0x3a: {  	_ = 	snop  }
0x3b: {  	_ = 	snop  }
0x3c: {  	p2 =	seq.s32 s10, $0x1;
	s10 =	sld [smem:$0x3FB1]  }
0x3d: {  	_ =	shalt  }
0x3e: {  	_ =	shalt  }
0x3f: {  	_ =	shalt  }
0x40: {  	_ =	shalt  }
0x41: {  	_ =	shalt  }
0x42: {  	_ =	shalt  }
0x43: {  	_ =	shalt  }
0x44: {  	_ =	shalt  }
0x45: {  	_ =	shalt  }
0x46: {  	_ =	shalt  }
0x47: {  	_ =	shalt  }
0x48: {  	_ =	shalt  }
0x49: {  	_ =	shalt  }
0x4a: {  	_ =	shalt  }
0x4b: {  	_ =	shalt  }
0x4c: {  	_ =	shalt  }
0x4d: {  	_ =	shalt  }
0x4e: {  	_ =	shalt  }
0x4f: {  	_ =	shalt  }
0x50: {  	_ =	shalt  }
0x51: {  	_ =	shalt  }
0x52: {  	_ =	shalt  }
0x53: {  	_ =	shalt  }
0x54: {  	_ =	shalt  }
0x55: {  	_ =	shalt  }
0x56: {  	_ =	shalt  }
0x57: {  	_ =	shalt  }
0x58: {  	_ =	shalt  }
0x59: {  	_ =	shalt  }
0x5a: {  	_ =	shalt  }
0x5b: {  	_ =	shalt  }
0x5c: {  	_ =	shalt  }
0x5d: {  	_ =	shalt  }
0x5e: {  	_ =	shalt  }
0x5f: {  	_ =	shalt  }
0x60: {  	_ =	shalt  }
0x61: {  	_ =	shalt  }
0x62: {  	_ =	shalt  }
0x63: {  	_ =	shalt  }
0x64: {  	_ =	shalt  }
0x65: {  	_ =	shalt  }
0x66: {  	_ =	shalt  }
0x67: {  	_ =	shalt  }
0x68: {  	_ =	shalt  }
0x69: {  	_ =	shalt  }
0x6a: {  	_ =	shalt  }
0x6b: {  	_ =	shalt  }
0x6c: {  	_ =	shalt  }
0x6d: {  	_ =	shalt  }
0x6e: {  	_ =	shalt  }
0x6f: {  	_ =	shalt  }
0x70: {  	_ =	shalt  }
0x71: {  	_ =	shalt  }
0x72: {  	_ =	shalt  }
0x73: {  	_ =	shalt  }
0x74: {  	_ =	shalt  }
0x75: {  	_ =	shalt  }
0x76: {  	_ =	shalt  }
0x77: {  	_ =	shalt  }
0x78: {  	_ =	shalt  }
0x79: {  	_ =	shalt  }
0x7a: {  	_ =	shalt  }
0x7b: {  	_ =	shalt  }
0x7c: {  	_ =	shalt  }
0x7d: {  	_ =	shalt  }
0x7e: {  	_ =	shalt  }
0x7f: {  	_ =	shalt  }
0x80: {  	_ =	shalt  }
0x81: {  	_ =	shalt  }
0x82: {  	_ =	shalt  }
0x83: {  	_ =	shalt  }
0x84: {  	_ =	shalt  }
0x85: {  	_ =	shalt  }
0x86: {  	_ =	shalt  }
0x87: {  	_ =	shalt  }
.Lfunc_end0:
.L_simem_size_0:
called_computation.1_lowered:
.L_overlay_start_0:
0x88: {  	s2 =	sld [smem:$0x3FD9]  }
0x89: {  	s3 =	sld [smem:$0x3FFE];
	_ =	sdelay $0x1  }
0x8a: {  	s1 =	srdreg.scid  }
0x8b: {  	s0 =	sand.u32 $0x1, s1  }
0x8c: {  	s16 =	sshll.u32 s0, $0xA;
	s2 =	sadd.s32 s3, s2  }
0x8d: {  	s2 =	sadd.s32 s2, s16  }
0x8e: {  	[smem:$0x3FBD] =	sst s2  }
0x8f: {  	_ = 	snop  }
0x90: {  	(tm) =	ssettm $0x1  }
0x91: {  	s17 =	sld [smem:$0x3FFB];
	_ =	sdelay $0x3  }
0x92: {  	_ =	strace s17  }
0x93: {  	s2 =	sld [smem:$0x3FFC];
	_ =	sdelay $0x3  }
0x94: {  	_ =	strace s2  }
0x95: {  	s2 =	sld [smem:$0x3FFD];
	_ =	sdelay $0x3  }
0x96: {  	_ =	strace s2  }
0x97: {  	_ =	strace $0x8FFFFFFF  }
0x98: {  	s18 =	sld [smem:$0x3FDB];
	_ =	sdelay $0x1  }
0x99: {  	s19 =	simm.s32 $_scs_section_size  }
0x9a: {  	s4 =	simm.s32 $_size__tile_overlayer_lowered;
	s5 =	simm.s32 $_tile_overlayer_lowered  }
0x9b: {  	s22 =	simm.s32 $0x1BFF;
	s21 =	sshll.u32 s5, $0x1;
	s2 =	sadd.s32 s19, s18  }
0x9c: {  	s6 =	simm.s32 $0x0;
	s20 =	sshll.u32 s4, $0x1;
	s4 =	sadd.s32 s21, s2  }
0x9d: {  	[timem:s6], [sflag:s22] =	dma.local [hbm:s4], s20  }
0x9e: {  	_ =	swait.ge [sflag:s22], s20  }
0x9f: {  	s3 =	ssub.s32 $0x0, s20;
	[sflag:s22] =	ssyncset.done $0x0  }
0xa0: {  	[sflag:s22] =	ssyncadd.s32 s3;
	_ =	sdelay $0x1  }
0xa1: {  	s23 =	simm.s32 $0x1B8B  }
0xa2: {  	_ =	swait.ge [sflag:s23], $0x1  }
0xa3: {  	[sflag:s23] =	ssyncset.done $0x0  }
0xa4: {  	s25 =	simm.s32 $0x1B8E;
	s24 =	sld [smem:$0x3FFE];
	[sflag:s23] =	ssyncadd.s32 $0xFFFFFFFF  }
0xa5: {  	s26 =	simm.s32 $execute0_lowered;
	[smem:$0x3FD2] =	sst s25  }
0xa6: {  	s4 =	sshll.u32 s26, $0x1;
	_ =	strace $0x80000049;
	[dreg:$0x1] =	wrdreg $0xFFFFFFFF  }
0xa7: {  	s28 =	simm.s32 $_size_execute0_lowered;
	s2 =	sadd.s32 s2, s4;
	[dreg:$0x0] =	wrdreg $0x0  }
0xa8: {  	s4 =	sshll.u32 s28, $0x1;
	[dreg:$0x2] =	wrdreg s2  }
0xa9: {  	[dreg:$0x3] =	wrdreg s4  }
0xaa: {  	[dreg:$0x4] =	wrdreg $0xC0  }
0xab: {  	_ =	task [dreg:s6], $0x5FFFF  }
0xac: {  	[dreg:$0x1] =	wrdreg $0xFFFFFFFF  }
0xad: {  	[dreg:$0x0] =	wrdreg $0x60  }
0xae: {  	[dreg:$0x2] =	wrdreg s24  }
0xaf: {  	[dreg:$0x3] =	wrdreg $0x90000  }
0xb0: {  	[dreg:$0x4] =	wrdreg $0x9  }
0xb1: {  	_ =	task.clear_ibuf [dreg:s6], $0x5FFFF;
	_ =	strace $0x90000049  }
0xb2: {  	s29 =	simm.s32 $0x9;
	_ =	strace $0x8000004B  }
0xb3: {  	_ =	swait.ge [sflag:s29], $0x1  }
0xb4: {  	[sflag:s29] =	ssyncadd.s32 $0xFFFFFFFF  }
0xb5: {  	_ =	strace $0x9000004B  }
0xb6: {  	_ =	sfence  }
0xb7: {  	s30 =	sld [smem:$0x0];
	_ =	sdelay $0x2  }
0xb8: {  	s31 =	sshll.u32 s1, $0xD;
	s1 =	sshrl.u32 s1, $0x2  }
0xb9: {  	s3 =	sand.u32 $0x4000, s31;
	s1 =	sadd.s32 s1, s30  }
0xba: {  	s0 =	sor.u32 s3, s0;
	s1 =	sshll.u32 s1, $0x11  }
0xbb: {  	s0 =	sor.u32 s1, s0  }
0xbc: {  	s0 =	sadd.s32 $0x8F2B, s0  }
0xbd: {  	[sflag:s0] =	ssyncadd.remote.s32 $0x1  }
0xbe: {  	_ =	sfence.sel $0xFFFF  }
0xbf: {  	[dreg:$0x0] =	wrdreg $0xFFFFFFFF;
	(pc) =	sbr.abs _section_cstart, $3  }
0xc0: {  	[dreg:$0x1] =	wrdreg $0xFFFFFFFF  }
0xc1: {  	_ =	task.clear_ibuf [dreg:s6], $0x2FFFF;
	_ =	strace $0x9FFFFFFF  }
0xc2: {  	(tm) =	ssettm $0x7FFFFFFF  }
0xc3: {  	_ =	shalt  }
tec
execute0_lowered:
.L_overlay_start_1:
0x0: {  	(tag) =	ssettag $0x1  }
0x1: {  	s7 =	rddreg [dreg:$0x0]  }
0x2: {  	s0 =	srdreg.scid;
	s2 =	rddreg [dreg:$0x1]  }
0x3: {  	s3 =	simm.s32 $0x0;
	s13 =	simm.s32 $0x2800;
	s14 =	simm.s32 $0x80  }
0x4: {  	s15 =	simm.s32 $0x5000;
	s16 =	simm.s32 $0x1;
	s6 =	sand.u32 $0x1, s0  }
0x5: {  	s17 =	simm.s32 $0x0;
	s0 =	stileid.u32;
	s5 =	smul.u32 $0x140000, s6  }
0x6: {  	[smem:$0x7FF] =	sst s3;
	s1 =	sshll.u32 s6, $0x4;
	s8 =	smul.u32 $0x14000, s0  }
0x7: {  	s10 =	smul.u32 $0x50000, s0;
	s6 =	ssub.s32 $0x2, s6;
	s1 =	sor.u32 s0, s1  }
0x8: {  	s31 =	sshll.u32 s0, $0x6;
	s28 =	sshrl.u32 s6, $0x1;
	s4 =	smul.u32 $0x500, s1  }
0x9: {  	s1 =	rddreg [dreg:$0x2];
	_ =	strace $0x8000004A;
	s8 =	sadd.s32 s8, s5  }
0xa: {  	s5 =	sadd.s32 $0xDA00, s7;
	s29 =	sshrl.u32 s10, $0x2;
	s30 =	ssub.s32 s6, s28  }
0xb: {  	s6 =	sor.u32 $0x1C02, s31;
	s8 =	sshrl.u32 s8, $0x3;
	s12 =	sadd.s32 s29, s2  }
0xc: {  	s10 =	smax.u32 s30, $0x1;
	s9 =	sadd.s32 s4, s7;
	s4 =	sadd.s32 $0x22000, s7  }
0xd: {  	s11 =	sadd.s32 s8, s7;
	s7 =	sadd.s32 $0x18000, s9;
	s8 =	sadd.s32 $0x3A00, s9  }
0xe: {  	s9 =	sadd.s32 $0x4A000, s11;
	s11 =	sshrl.u32 s12, $0x3;
	s12 =	simm.s32 $0x2  }
.LBB2_1:
0xf: {  	[spmem:s11], [sflag:s6] =	dma.local [hbm:s5], $0x2800  }
0x10: {  	_ =	swait.ge [sflag:s12], $0x2800  }
0x11: {  	[sflag:s12] =	ssyncset.done $0x0  }
0x12: {  	[sflag:s12] =	ssyncadd.s32 $0xFFFFD800  }
0x13: {  	[tilespmem:s3], [sflag:$0x2] =	stream.linear.gather [hbm4b:s7+s3], $0x2780, $0x38;
	[tilespmem:$0x1D000] =	vst v63  }
0x14: {  	_ =	swait.ge [sflag:s12], $0x2780  }
0x15: {  	[sflag:s12] =	ssyncset.done $0x0  }
0x16: {  	[sflag:s12] =	ssyncadd.s32 $0xFFFFD880  }
0x17: {  	[tilespmem:s13], [sflag:$0x2] =	stream.linear.gather [hbm4b:s8+s3], $0x2780, $0x38;
	[tilespmem:$0x1D000] =	vst v63  }
0x18: {  	_ =	swait.ge [sflag:s12], $0x2780  }
0x19: {  	[sflag:s12] =	ssyncset.done $0x0  }
0x1a: {  	[sflag:s12] =	ssyncadd.s32 $0xFFFFD880  }
0x1b: {  	s18 =	simm.s32 $0x0;
	[bflag:$0x0] =	sbarrier.arrive $0xFFFF  }
0x1c: {  	[tilespmem:s15], [sflag:$0x1] =	stream.indirect.gather [hbm4b:s4+s14], $0x80, s18, s14, $0xb8;
	[tilespmem:$0x1D000] =	vst v63  }
0x1d: {  	_ =	swait.ge [sflag:s16], $0x4000  }
0x1e: {  	[sflag:s16] =	ssyncset.done $0x0  }
0x1f: {  	s31 =	simm.s32 $0x2800;
	[sflag:s16] =	ssyncadd.s32 $0xFFFFC000  }
0x20: {  	[spmem:s2] =	stream.indirect.scatter.add.f32 [tilespmem:s15], [sflag:$0x2], $0x80, s31, s14, $0xb8;
	[tilespmem:$0x1D000] =	vst v63  }
0x21: {  	_ =	swait.ge [sflag:s12], $0x4000  }
0x22: {  	s19 =	simm.s32 $0x400;
	s18 =	simm.s32 $0x200;
	[sflag:s12] =	ssyncset.done $0x0  }
.LBB2_2:
0x23: {  	s20 =	sshra.s32 s18, $0x2  }
0x24: {  	[sflag:s12] =	ssyncadd.s32 $0xFFFFC000;
	s18 =	smov.u32 s19;
	s21 =	sadd.s32 $0x200, s19  }
0x25: {  	[tilespmem:s15], [sflag:$0x1] =	stream.indirect.gather [hbm4b:s4+s14], $0x80, s20, s14, $0xb8;
	[tilespmem:$0x1D000] =	vst v63  }
0x26: {  	p0 =	sne.s32 s19, $0x9C00;
	_ =	swait.ge [sflag:s16], $0x4000  }
.Ltmp0:
0x27: {  	[sflag:s16] =	ssyncset.done $0x0;
	(pc) =	sbr.rel @p0 .LBB2_2-.Ltmp0, $4  }
0x28: {  	s19 =	sadd.s32 $0x2800, s20;
	[sflag:s16] =	ssyncadd.s32 $0xFFFFC000  }
0x29: {  	[spmem:s2] =	stream.indirect.scatter.add.f32 [tilespmem:s15], [sflag:$0x2], $0x80, s19, s14, $0xb8;
	[tilespmem:$0x1D000] =	vst v63  }
0x2a: {  	_ =	swait.ge [sflag:s12], $0x4000  }
0x2b: {  	s19 =	smov.u32 s21;
	[sflag:s12] =	ssyncset.done $0x0  }
0x2c: {  	s18 =	sshra.s32 s18, $0x2;
	[sflag:s12] =	ssyncadd.s32 $0xFFFFC000  }
0x2d: {  	[tilespmem:s15], [sflag:$0x1] =	stream.indirect.gather [hbm4b:s4+s14], $0x80, s18, s14, $0xb8;
	[tilespmem:$0x1D000] =	vst v63  }
0x2e: {  	_ =	swait.ge [sflag:s16], $0x4000  }
0x2f: {  	[sflag:s16] =	ssyncset.done $0x0  }
0x30: {  	s18 =	sadd.s32 $0x2800, s18;
	[sflag:s16] =	ssyncadd.s32 $0xFFFFC000  }
0x31: {  	[spmem:s2] =	stream.indirect.scatter.add.f32 [tilespmem:s15], [sflag:$0x2], $0x80, s18, s14, $0xb8;
	[tilespmem:$0x1D000] =	vst v63  }
0x32: {  	_ =	swait.ge [sflag:s12], $0x4000  }
0x33: {  	s17 =	sadd.s32 $0x1, s17;
	[sflag:s12] =	ssyncset.done $0x0  }
0x34: {  	p0 =	sne.s32 s17, s10;
	[sflag:s12] =	ssyncadd.s32 $0xFFFFC000  }
.Ltmp1:
0x35: {  	[bflag:$0x0] =	sbarrier.arrive $0xFFFF;
	(pc) =	sbr.rel @p0 .LBB2_1-.Ltmp1, $4  }
0x36: {  	[hbm:s9], [sflag:s6] =	dma.local [spmem:s11], $0x2800  }
0x37: {  	_ =	swait.ge [sflag:s12], $0x2800  }
0x38: {  	[sflag:s12] =	ssyncset.done $0x0  }
0x39: {  	[sflag:s12] =	ssyncadd.s32 $0xFFFFD800  }
0x3a: {  	_ =	sfence.sel $0x180000  }
0x3b: {  	[bflag:$0x0] =	sbarrier.arrive $0xFFFF  }
0x3c: {  	p0 =	sne.s32 s0, $0x0;
	_ =	strace $0x9000004A  }
0x3d: {  	s0 =	sadd.s32 @!p0 $0x100000, s1;
	[bflag:$0x2] =	sbarrier.arrive $0xFFFF  }
0x3e: {  	[sflag:s0] =	ssyncadd.tile.s32 @!p0 $0x1;
	_ =	shalt  }
.Lfunc_end2:
_tile_overlayer_lowered:
.L_overlay_start_2:
0x3f: {  	(tag) =	ssettag $0x2  }
0x40: {  	s0 =	rddreg [dreg:$0x0];
	s2 =	stileid.u32  }
0x41: {  	s1 =	rddreg [dreg:$0x1];
	p0 =	sne.s32 s2, $0x0  }
0x42: {  	s3 =	rddreg [dreg:$0x2];
	[bflag:$0x3] =	sbarrier.arrive $0xFFFF;
	s2 =	simm.s32 @!p0 $0x1C02  }
0x43: {  	[timem:s3], [sflag:s2] =	dma.local @!p0 [hbm:s0], s1  }
0x44: {  	s0 =	simm.s32 @!p0 $0x2  }
0x45: {  	_ =	swait.ge @!p0 [sflag:s0], s1  }
0x46: {  	s1 =	ssub.s32 @!p0 $0x0, s1;
	[sflag:s0] =	ssyncset.done @!p0 $0x0  }
0x47: {  	[sflag:s0] =	ssyncadd.s32 @!p0 s1  }
0x48: {  	[bflag:$0x3] =	sbarrier.arrive $0xFFFF  }
0x49: {  	_ =	shalt  }

// kernel: kernel.16.cloned.1.call-start
scs
__scs_entry_jumppad:
0x0: {  	(pc) =	sbr.rel $0x88, $3  }
0x1: {  	(tag) =	ssettag $0x0;
	lr =	simm.s32 $0x1  }
0x2: {  	[smem:$0x3F96] =	sst lr;
	_ =	strace $0xD0000000  }
0x3: {  	_ = 	snop  }
0x4: {  	_ = 	snop  }
0x5: {  	_ = 	snop  }
0x6: {  	_ = 	snop  }
0x7: {  	_ = 	snop  }
__scs_overlays_trampoline_lowered:
0x8: {  	[smem:$0x3FA5] =	sst s0  }
0x9: {  	[smem:$0x3FA6] =	sst s1  }
0xa: {  	[smem:$0x3FA7] =	sst s2  }
0xb: {  	[smem:$0x3FA8] =	sst s3  }
0xc: {  	[smem:$0x3FA9] =	sst s4  }
0xd: {  	[smem:$0x3FAA] =	sst s5  }
0xe: {  	[smem:$0x3FAB] =	sst s6  }
0xf: {  	[smem:$0x3FAC] =	sst s7  }
0x10: {  	[smem:$0x3FAD] =	sst s8  }
0x11: {  	[smem:$0x3FAE] =	sst s9;
	s0 =	simm.s32 @!p0 $0x0  }
0x12: {  	s1 =	sld [smem:$0x3F94];
	s0 =	simm.s32 @p0 $0x1  }
0x13: {  	[smem:$0x3FAF] =	sst s0;
	s0 =	simm.s32 @!p1 $0x0  }
0x14: {  	s2 =	sld [smem:$0x3F93];
	s0 =	simm.s32 @p1 $0x1  }
0x15: {  	[smem:$0x3FB0] =	sst s0;
	s0 =	simm.s32 @!p2 $0x0  }
0x16: {  	s3 =	sld [smem:$0x3FDB];
	s0 =	simm.s32 @p2 $0x1  }
0x17: {  	s4 =	simm.s32 $0x1BF5;
	[smem:$0x3FB2] =	sst s0  }
0x18: {  	s0 =	sld [smem:$0x3F95];
	_ =	swait.ge [sflag:s4], $0x0  }
0x19: {  	s7 =	sld [smem:$0x3F96]  }
0x1a: {  	s8 =	sadd.s32 $0xFFFFE003, lr  }
0x1b: {  	s9 =	sadd.s32 $0xFFFFFEF7, lr;
	s5 =	simm.s32 $0xFFFFFFFF;
	p2 =	slt.u32 s8, $0xFFFFF086  }
0x1c: {  	p1 =	slt.u32 s9, $0xF7A;
	s5 =	simm.s32 @!p2 $0x0  }
0x1d: {  	s5 =	simm.s32 @p1 $0x1;
	p0 =	seq.s32 s7, s2  }
0x1e: {  	s7 =	smul.u32 @!p0 $0xF7A, s2;
	p2 =	seq.s32 @!p0 s5, $0x0  }
0x1f: {  	s9 =	smul.u32 $0xF7A, s1;
	s8 =	simm.s32 @!p0 $0x1BF5;
	p2 =	por !p2, p0  }
0x20: {  	[sflag:s8] =	ssyncset.s32 @!p0 $0xFFFFF086;
	s6 =	sadd.s32 @!p0 s3, s7;
	s7 =	simm.s32 @!p0 $0x108  }
0x21: {  	s3 =	sadd.s32 s3, s9;
	s6 =	sadd.s32 @!p0 $0x88, s6;
	s7 =	simm.s32 @p2 $0x1082  }
0x22: {  	[simem:s7], [sflag:s8] =	dma.local @!p0 [hbm:s6], $0xF7A  }
0x23: {  	s9 =	sor.u32 $0xD0000000, s2;
	s6 =	simm.s32 $0x108;
	_ =	swait.ge @!p0 [sflag:s8], $0x0  }
0x24: {  	s3 =	sadd.s32 $0x88, s3;
	s6 =	simm.s32 @!p1 $0x1082;
	[sflag:s4] =	ssyncset.s32 $0xFFFFF086  }
0x25: {  	[simem:s6], [sflag:s4] =	dma.local [hbm:s3], $0xF7A  }
0x26: {  	[smem:$0x3F96] =	sst s1;
	(tag) =	ssettag s2;
	_ =	strace s9  }
0x27: {  	s1 =	sld [smem:$0x3FA6]  }
0x28: {  	s2 =	sld [smem:$0x3FA7]  }
0x29: {  	s4 =	sld [smem:$0x3FA9]  }
0x2a: {  	p0 =	seq.s32 s5, $0x0;
	s5 =	sld [smem:$0x3FAA]  }
0x2b: {  	s6 =	sld [smem:$0x3FAB]  }
0x2c: {  	s7 =	sld [smem:$0x3FAC]  }
0x2d: {  	s3 =	simm.s32 $0x108;
	s8 =	sld [smem:$0x3FAD]  }
0x2e: {  	s3 =	simm.s32 @!p0 $0x1082;
	s9 =	sld [smem:$0x3FAE]  }
0x2f: {  	lr =	sadd.s32 s0, s3;
	s0 =	sld [smem:$0x3FA5]  }
0x30: {  	s3 =	sld [smem:$0x3FA8]  }
0x31: {  	[smem:$0x3FB1] =	sst s10  }
0x32: {  	s10 =	sld [smem:$0x3FAF];
	_ =	sdelay $0x3  }
0x33: {  	p0 =	seq.s32 s10, $0x1;
	s10 =	sld [smem:$0x3FB1];
	_ =	sdelay $0x3  }
0x34: {  	[smem:$0x3FB1] =	sst s10  }
0x35: {  	s10 =	sld [smem:$0x3FB0];
	_ =	sdelay $0x3  }
0x36: {  	p1 =	seq.s32 s10, $0x1;
	s10 =	sld [smem:$0x3FB1];
	_ =	sdelay $0x3  }
0x37: {  	[smem:$0x3FB1] =	sst s10  }
0x38: {  	s10 =	sld [smem:$0x3FB2]  }
0x39: {  	_ = 	snop;
	(pc) =	sbr.ind lr, $3  }
0x3a: {  	_ = 	snop  }
0x3b: {  	_ = 	snop  }
0x3c: {  	p2 =	seq.s32 s10, $0x1;
	s10 =	sld [smem:$0x3FB1]  }
0x3d: {  	_ =	shalt  }
0x3e: {  	_ =	shalt  }
0x3f: {  	_ =	shalt  }
0x40: {  	_ =	shalt  }
0x41: {  	_ =	shalt  }
0x42: {  	_ =	shalt  }
0x43: {  	_ =	shalt  }
0x44: {  	_ =	shalt  }
0x45: {  	_ =	shalt  }
0x46: {  	_ =	shalt  }
0x47: {  	_ =	shalt  }
0x48: {  	_ =	shalt  }
0x49: {  	_ =	shalt  }
0x4a: {  	_ =	shalt  }
0x4b: {  	_ =	shalt  }
0x4c: {  	_ =	shalt  }
0x4d: {  	_ =	shalt  }
0x4e: {  	_ =	shalt  }
0x4f: {  	_ =	shalt  }
0x50: {  	_ =	shalt  }
0x51: {  	_ =	shalt  }
0x52: {  	_ =	shalt  }
0x53: {  	_ =	shalt  }
0x54: {  	_ =	shalt  }
0x55: {  	_ =	shalt  }
0x56: {  	_ =	shalt  }
0x57: {  	_ =	shalt  }
0x58: {  	_ =	shalt  }
0x59: {  	_ =	shalt  }
0x5a: {  	_ =	shalt  }
0x5b: {  	_ =	shalt  }
0x5c: {  	_ =	shalt  }
0x5d: {  	_ =	shalt  }
0x5e: {  	_ =	shalt  }
0x5f: {  	_ =	shalt  }
0x60: {  	_ =	shalt  }
0x61: {  	_ =	shalt  }
0x62: {  	_ =	shalt  }
0x63: {  	_ =	shalt  }
0x64: {  	_ =	shalt  }
0x65: {  	_ =	shalt  }
0x66: {  	_ =	shalt  }
0x67: {  	_ =	shalt  }
0x68: {  	_ =	shalt  }
0x69: {  	_ =	shalt  }
0x6a: {  	_ =	shalt  }
0x6b: {  	_ =	shalt  }
0x6c: {  	_ =	shalt  }
0x6d: {  	_ =	shalt  }
0x6e: {  	_ =	shalt  }
0x6f: {  	_ =	shalt  }
0x70: {  	_ =	shalt  }
0x71: {  	_ =	shalt  }
0x72: {  	_ =	shalt  }
0x73: {  	_ =	shalt  }
0x74: {  	_ =	shalt  }
0x75: {  	_ =	shalt  }
0x76: {  	_ =	shalt  }
0x77: {  	_ =	shalt  }
0x78: {  	_ =	shalt  }
0x79: {  	_ =	shalt  }
0x7a: {  	_ =	shalt  }
0x7b: {  	_ =	shalt  }
0x7c: {  	_ =	shalt  }
0x7d: {  	_ =	shalt  }
0x7e: {  	_ =	shalt  }
0x7f: {  	_ =	shalt  }
0x80: {  	_ =	shalt  }
0x81: {  	_ =	shalt  }
0x82: {  	_ =	shalt  }
0x83: {  	_ =	shalt  }
0x84: {  	_ =	shalt  }
0x85: {  	_ =	shalt  }
0x86: {  	_ =	shalt  }
0x87: {  	_ =	shalt  }
.Lfunc_end0:
.L_simem_size_0:
called_computation.2_lowered:
.L_overlay_start_0:
0x88: {  	s2 =	sld [smem:$0x3FD9]  }
0x89: {  	s3 =	sld [smem:$0x3FFE];
	_ =	sdelay $0x1  }
0x8a: {  	s1 =	srdreg.scid  }
0x8b: {  	s0 =	sand.u32 $0x1, s1  }
0x8c: {  	s16 =	sshll.u32 s0, $0xA;
	s2 =	sadd.s32 s3, s2  }
0x8d: {  	s2 =	sadd.s32 s2, s16  }
0x8e: {  	[smem:$0x3FBD] =	sst s2  }
0x8f: {  	_ = 	snop  }
0x90: {  	(tm) =	ssettm $0x1  }
0x91: {  	s17 =	sld [smem:$0x3FFB];
	_ =	sdelay $0x3  }
0x92: {  	_ =	strace s17  }
0x93: {  	s2 =	sld [smem:$0x3FFC];
	_ =	sdelay $0x3  }
0x94: {  	_ =	strace s2  }
0x95: {  	s2 =	sld [smem:$0x3FFD];
	_ =	sdelay $0x3  }
0x96: {  	_ =	strace s2  }
0x97: {  	_ =	strace $0x8FFFFFFF  }
0x98: {  	s18 =	sld [smem:$0x3FDB];
	_ =	sdelay $0x1  }
0x99: {  	s19 =	simm.s32 $_scs_section_size  }
0x9a: {  	s4 =	simm.s32 $_size__tile_overlayer_lowered;
	s5 =	simm.s32 $_tile_overlayer_lowered  }
0x9b: {  	s22 =	simm.s32 $0x1BFF;
	s21 =	sshll.u32 s5, $0x1;
	s2 =	sadd.s32 s19, s18  }
0x9c: {  	s6 =	simm.s32 $0x0;
	s20 =	sshll.u32 s4, $0x1;
	s4 =	sadd.s32 s21, s2  }
0x9d: {  	[timem:s6], [sflag:s22] =	dma.local [hbm:s4], s20  }
0x9e: {  	_ =	swait.ge [sflag:s22], s20  }
0x9f: {  	s3 =	ssub.s32 $0x0, s20;
	[sflag:s22] =	ssyncset.done $0x0  }
0xa0: {  	[sflag:s22] =	ssyncadd.s32 s3;
	_ =	sdelay $0x1  }
0xa1: {  	s23 =	simm.s32 $0x1B8B  }
0xa2: {  	_ =	swait.ge [sflag:s23], $0x1  }
0xa3: {  	[sflag:s23] =	ssyncset.done $0x0  }
0xa4: {  	s25 =	simm.s32 $0x1B8E;
	s24 =	sld [smem:$0x3FFE];
	[sflag:s23] =	ssyncadd.s32 $0xFFFFFFFF  }
0xa5: {  	s26 =	simm.s32 $execute0_lowered;
	[smem:$0x3FD2] =	sst s25  }
0xa6: {  	s4 =	sshll.u32 s26, $0x1;
	_ =	strace $0x8000004C;
	[dreg:$0x1] =	wrdreg $0xFFFFFFFF  }
0xa7: {  	s28 =	simm.s32 $_size_execute0_lowered;
	s2 =	sadd.s32 s2, s4;
	[dreg:$0x0] =	wrdreg $0x0  }
0xa8: {  	s4 =	sshll.u32 s28, $0x1;
	[dreg:$0x2] =	wrdreg s2  }
0xa9: {  	[dreg:$0x3] =	wrdreg s4  }
0xaa: {  	[dreg:$0x4] =	wrdreg $0xC0  }
0xab: {  	_ =	task [dreg:s6], $0x5FFFF  }
0xac: {  	[dreg:$0x1] =	wrdreg $0xFFFFFFFF  }
0xad: {  	[dreg:$0x0] =	wrdreg $0x60  }
0xae: {  	[dreg:$0x2] =	wrdreg s24  }
0xaf: {  	[dreg:$0x3] =	wrdreg $0x90000  }
0xb0: {  	[dreg:$0x4] =	wrdreg $0x9  }
0xb1: {  	_ =	task.clear_ibuf [dreg:s6], $0x5FFFF;
	_ =	strace $0x9000004C  }
0xb2: {  	s29 =	simm.s32 $0x9;
	_ =	strace $0x8000004E  }
0xb3: {  	_ =	swait.ge [sflag:s29], $0x1  }
0xb4: {  	[sflag:s29] =	ssyncadd.s32 $0xFFFFFFFF  }
0xb5: {  	_ =	strace $0x9000004E  }
0xb6: {  	_ =	sfence  }
0xb7: {  	s30 =	sld [smem:$0x0];
	_ =	sdelay $0x2  }
0xb8: {  	s31 =	sshll.u32 s1, $0xD;
	s1 =	sshrl.u32 s1, $0x2  }
0xb9: {  	s3 =	sand.u32 $0x4000, s31;
	s1 =	sadd.s32 s1, s30  }
0xba: {  	s0 =	sor.u32 s3, s0;
	s1 =	sshll.u32 s1, $0x11  }
0xbb: {  	s0 =	sor.u32 s1, s0  }
0xbc: {  	s0 =	sadd.s32 $0x8F2B, s0  }
0xbd: {  	[sflag:s0] =	ssyncadd.remote.s32 $0x1  }
0xbe: {  	_ =	sfence.sel $0xFFFF  }
0xbf: {  	[dreg:$0x0] =	wrdreg $0xFFFFFFFF;
	(pc) =	sbr.abs _section_cstart, $3  }
0xc0: {  	[dreg:$0x1] =	wrdreg $0xFFFFFFFF  }
0xc1: {  	_ =	task.clear_ibuf [dreg:s6], $0x2FFFF;
	_ =	strace $0x9FFFFFFF  }
0xc2: {  	(tm) =	ssettm $0x7FFFFFFF  }
0xc3: {  	_ =	shalt  }
tec
execute0_lowered:
.L_overlay_start_1:
0x0: {  	(tag) =	ssettag $0x1  }
0x1: {  	s7 =	rddreg [dreg:$0x0]  }
0x2: {  	s0 =	srdreg.scid;
	s2 =	rddreg [dreg:$0x1]  }
0x3: {  	s3 =	simm.s32 $0x0;
	s13 =	simm.s32 $0x2800;
	s14 =	simm.s32 $0x80  }
0x4: {  	s15 =	simm.s32 $0x5000;
	s16 =	simm.s32 $0x1;
	s6 =	sand.u32 $0x1, s0  }
0x5: {  	s17 =	simm.s32 $0x0;
	s0 =	stileid.u32;
	s5 =	smul.u32 $0x140000, s6  }
0x6: {  	[smem:$0x7FF] =	sst s3;
	s1 =	sshll.u32 s6, $0x4;
	s8 =	smul.u32 $0x14000, s0  }
0x7: {  	s10 =	smul.u32 $0x50000, s0;
	s6 =	ssub.s32 $0x2, s6;
	s1 =	sor.u32 s0, s1  }
0x8: {  	s31 =	sshll.u32 s0, $0x6;
	s28 =	sshrl.u32 s6, $0x1;
	s4 =	smul.u32 $0x500, s1  }
0x9: {  	s1 =	rddreg [dreg:$0x2];
	_ =	strace $0x8000004D;
	s8 =	sadd.s32 s8, s5  }
0xa: {  	s5 =	sadd.s32 $0xDA00, s7;
	s29 =	sshrl.u32 s10, $0x2;
	s30 =	ssub.s32 s6, s28  }
0xb: {  	s6 =	sor.u32 $0x1C02, s31;
	s8 =	sshrl.u32 s8, $0x3;
	s12 =	sadd.s32 s29, s2  }
0xc: {  	s10 =	smax.u32 s30, $0x1;
	s9 =	sadd.s32 s4, s7;
	s4 =	sadd.s32 $0x22000, s7  }
0xd: {  	s11 =	sadd.s32 s8, s7;
	s7 =	sadd.s32 $0x18000, s9;
	s8 =	sadd.s32 $0x3A00, s9  }
0xe: {  	s9 =	sadd.s32 $0x4A000, s11;
	s11 =	sshrl.u32 s12, $0x3;
	s12 =	simm.s32 $0x2  }
.LBB2_1:
0xf: {  	[spmem:s11], [sflag:s6] =	dma.local [hbm:s5], $0x2800  }
0x10: {  	_ =	swait.ge [sflag:s12], $0x2800  }
0x11: {  	[sflag:s12] =	ssyncset.done $0x0  }
0x12: {  	[sflag:s12] =	ssyncadd.s32 $0xFFFFD800  }
0x13: {  	[tilespmem:s3], [sflag:$0x2] =	stream.linear.gather [hbm4b:s7+s3], $0x2780, $0x38;
	[tilespmem:$0x1D000] =	vst v63  }
0x14: {  	_ =	swait.ge [sflag:s12], $0x2780  }
0x15: {  	[sflag:s12] =	ssyncset.done $0x0  }
0x16: {  	[sflag:s12] =	ssyncadd.s32 $0xFFFFD880  }
0x17: {  	[tilespmem:s13], [sflag:$0x2] =	stream.linear.gather [hbm4b:s8+s3], $0x2780, $0x38;
	[tilespmem:$0x1D000] =	vst v63  }
0x18: {  	_ =	swait.ge [sflag:s12], $0x2780  }
0x19: {  	[sflag:s12] =	ssyncset.done $0x0  }
0x1a: {  	[sflag:s12] =	ssyncadd.s32 $0xFFFFD880  }
0x1b: {  	s18 =	simm.s32 $0x0;
	[bflag:$0x0] =	sbarrier.arrive $0xFFFF  }
0x1c: {  	[tilespmem:s15], [sflag:$0x1] =	stream.indirect.gather [hbm4b:s4+s14], $0x80, s18, s14, $0xb8;
	[tilespmem:$0x1D000] =	vst v63  }
0x1d: {  	_ =	swait.ge [sflag:s16], $0x4000  }
0x1e: {  	[sflag:s16] =	ssyncset.done $0x0  }
0x1f: {  	s31 =	simm.s32 $0x2800;
	[sflag:s16] =	ssyncadd.s32 $0xFFFFC000  }
0x20: {  	[spmem:s2] =	stream.indirect.scatter.add.f32 [tilespmem:s15], [sflag:$0x2], $0x80, s31, s14, $0xb8;
	[tilespmem:$0x1D000] =	vst v63  }
0x21: {  	_ =	swait.ge [sflag:s12], $0x4000  }
0x22: {  	s19 =	simm.s32 $0x400;
	s18 =	simm.s32 $0x200;
	[sflag:s12] =	ssyncset.done $0x0  }
.LBB2_2:
0x23: {  	s20 =	sshra.s32 s18, $0x2  }
0x24: {  	[sflag:s12] =	ssyncadd.s32 $0xFFFFC000;
	s18 =	smov.u32 s19;
	s21 =	sadd.s32 $0x200, s19  }
0x25: {  	[tilespmem:s15], [sflag:$0x1] =	stream.indirect.gather [hbm4b:s4+s14], $0x80, s20, s14, $0xb8;
	[tilespmem:$0x1D000] =	vst v63  }
0x26: {  	p0 =	sne.s32 s19, $0x9C00;
	_ =	swait.ge [sflag:s16], $0x4000  }
.Ltmp0:
0x27: {  	[sflag:s16] =	ssyncset.done $0x0;
	(pc) =	sbr.rel @p0 .LBB2_2-.Ltmp0, $4  }
0x28: {  	s19 =	sadd.s32 $0x2800, s20;
	[sflag:s16] =	ssyncadd.s32 $0xFFFFC000  }
0x29: {  	[spmem:s2] =	stream.indirect.scatter.add.f32 [tilespmem:s15], [sflag:$0x2], $0x80, s19, s14, $0xb8;
	[tilespmem:$0x1D000] =	vst v63  }
0x2a: {  	_ =	swait.ge [sflag:s12], $0x4000  }
0x2b: {  	s19 =	smov.u32 s21;
	[sflag:s12] =	ssyncset.done $0x0  }
0x2c: {  	s18 =	sshra.s32 s18, $0x2;
	[sflag:s12] =	ssyncadd.s32 $0xFFFFC000  }
0x2d: {  	[tilespmem:s15], [sflag:$0x1] =	stream.indirect.gather [hbm4b:s4+s14], $0x80, s18, s14, $0xb8;
	[tilespmem:$0x1D000] =	vst v63  }
0x2e: {  	_ =	swait.ge [sflag:s16], $0x4000  }
0x2f: {  	[sflag:s16] =	ssyncset.done $0x0  }
0x30: {  	s18 =	sadd.s32 $0x2800, s18;
	[sflag:s16] =	ssyncadd.s32 $0xFFFFC000  }
0x31: {  	[spmem:s2] =	stream.indirect.scatter.add.f32 [tilespmem:s15], [sflag:$0x2], $0x80, s18, s14, $0xb8;
	[tilespmem:$0x1D000] =	vst v63  }
0x32: {  	_ =	swait.ge [sflag:s12], $0x4000  }
0x33: {  	s17 =	sadd.s32 $0x1, s17;
	[sflag:s12] =	ssyncset.done $0x0  }
0x34: {  	p0 =	sne.s32 s17, s10;
	[sflag:s12] =	ssyncadd.s32 $0xFFFFC000  }
.Ltmp1:
0x35: {  	[bflag:$0x0] =	sbarrier.arrive $0xFFFF;
	(pc) =	sbr.rel @p0 .LBB2_1-.Ltmp1, $4  }
0x36: {  	[hbm:s9], [sflag:s6] =	dma.local [spmem:s11], $0x2800  }
0x37: {  	_ =	swait.ge [sflag:s12], $0x2800  }
0x38: {  	[sflag:s12] =	ssyncset.done $0x0  }
0x39: {  	[sflag:s12] =	ssyncadd.s32 $0xFFFFD800  }
0x3a: {  	_ =	sfence.sel $0x180000  }
0x3b: {  	[bflag:$0x0] =	sbarrier.arrive $0xFFFF  }
0x3c: {  	p0 =	sne.s32 s0, $0x0;
	_ =	strace $0x9000004D  }
0x3d: {  	s0 =	sadd.s32 @!p0 $0x100000, s1;
	[bflag:$0x2] =	sbarrier.arrive $0xFFFF  }
0x3e: {  	[sflag:s0] =	ssyncadd.tile.s32 @!p0 $0x1;
	_ =	shalt  }
.Lfunc_end2:
_tile_overlayer_lowered:
.L_overlay_start_2:
0x3f: {  	(tag) =	ssettag $0x2  }
0x40: {  	s0 =	rddreg [dreg:$0x0];
	s2 =	stileid.u32  }
0x41: {  	s1 =	rddreg [dreg:$0x1];
	p0 =	sne.s32 s2, $0x0  }
0x42: {  	s3 =	rddreg [dreg:$0x2];
	[bflag:$0x3] =	sbarrier.arrive $0xFFFF;
	s2 =	simm.s32 @!p0 $0x1C02  }
0x43: {  	[timem:s3], [sflag:s2] =	dma.local @!p0 [hbm:s0], s1  }
0x44: {  	s0 =	simm.s32 @!p0 $0x2  }
0x45: {  	_ =	swait.ge @!p0 [sflag:s0], s1  }
0x46: {  	s1 =	ssub.s32 @!p0 $0x0, s1;
	[sflag:s0] =	ssyncset.done @!p0 $0x0  }
0x47: {  	[sflag:s0] =	ssyncadd.s32 @!p0 s1  }
0x48: {  	[bflag:$0x3] =	sbarrier.arrive $0xFFFF  }
0x49: {  	_ =	shalt  }

// kernel: kernel.19.cloned.1.call-start
scs
__scs_entry_jumppad:
0x0: {  	(pc) =	sbr.rel $0x88, $3  }
0x1: {  	(tag) =	ssettag $0x0;
	lr =	simm.s32 $0x1  }
0x2: {  	[smem:$0x3F96] =	sst lr;
	_ =	strace $0xD0000000  }
0x3: {  	_ = 	snop  }
0x4: {  	_ = 	snop  }
0x5: {  	_ = 	snop  }
0x6: {  	_ = 	snop  }
0x7: {  	_ = 	snop  }
__scs_overlays_trampoline_lowered:
0x8: {  	[smem:$0x3FA5] =	sst s0  }
0x9: {  	[smem:$0x3FA6] =	sst s1  }
0xa: {  	[smem:$0x3FA7] =	sst s2  }
0xb: {  	[smem:$0x3FA8] =	sst s3  }
0xc: {  	[smem:$0x3FA9] =	sst s4  }
0xd: {  	[smem:$0x3FAA] =	sst s5  }
0xe: {  	[smem:$0x3FAB] =	sst s6  }
0xf: {  	[smem:$0x3FAC] =	sst s7  }
0x10: {  	[smem:$0x3FAD] =	sst s8  }
0x11: {  	[smem:$0x3FAE] =	sst s9;
	s0 =	simm.s32 @!p0 $0x0  }
0x12: {  	s1 =	sld [smem:$0x3F94];
	s0 =	simm.s32 @p0 $0x1  }
0x13: {  	[smem:$0x3FAF] =	sst s0;
	s0 =	simm.s32 @!p1 $0x0  }
0x14: {  	s2 =	sld [smem:$0x3F93];
	s0 =	simm.s32 @p1 $0x1  }
0x15: {  	[smem:$0x3FB0] =	sst s0;
	s0 =	simm.s32 @!p2 $0x0  }
0x16: {  	s3 =	sld [smem:$0x3FDB];
	s0 =	simm.s32 @p2 $0x1  }
0x17: {  	s4 =	simm.s32 $0x1BF5;
	[smem:$0x3FB2] =	sst s0  }
0x18: {  	s0 =	sld [smem:$0x3F95];
	_ =	swait.ge [sflag:s4], $0x0  }
0x19: {  	s7 =	sld [smem:$0x3F96]  }
0x1a: {  	s8 =	sadd.s32 $0xFFFFE003, lr  }
0x1b: {  	s9 =	sadd.s32 $0xFFFFFEF7, lr;
	s5 =	simm.s32 $0xFFFFFFFF;
	p2 =	slt.u32 s8, $0xFFFFF086  }
0x1c: {  	p1 =	slt.u32 s9, $0xF7A;
	s5 =	simm.s32 @!p2 $0x0  }
0x1d: {  	s5 =	simm.s32 @p1 $0x1;
	p0 =	seq.s32 s7, s2  }
0x1e: {  	s7 =	smul.u32 @!p0 $0xF7A, s2;
	p2 =	seq.s32 @!p0 s5, $0x0  }
0x1f: {  	s9 =	smul.u32 $0xF7A, s1;
	s8 =	simm.s32 @!p0 $0x1BF5;
	p2 =	por !p2, p0  }
0x20: {  	[sflag:s8] =	ssyncset.s32 @!p0 $0xFFFFF086;
	s6 =	sadd.s32 @!p0 s3, s7;
	s7 =	simm.s32 @!p0 $0x108  }
0x21: {  	s3 =	sadd.s32 s3, s9;
	s6 =	sadd.s32 @!p0 $0x88, s6;
	s7 =	simm.s32 @p2 $0x1082  }
0x22: {  	[simem:s7], [sflag:s8] =	dma.local @!p0 [hbm:s6], $0xF7A  }
0x23: {  	s9 =	sor.u32 $0xD0000000, s2;
	s6 =	simm.s32 $0x108;
	_ =	swait.ge @!p0 [sflag:s8], $0x0  }
0x24: {  	s3 =	sadd.s32 $0x88, s3;
	s6 =	simm.s32 @!p1 $0x1082;
	[sflag:s4] =	ssyncset.s32 $0xFFFFF086  }
0x25: {  	[simem:s6], [sflag:s4] =	dma.local [hbm:s3], $0xF7A  }
0x26: {  	[smem:$0x3F96] =	sst s1;
	(tag) =	ssettag s2;
	_ =	strace s9  }
0x27: {  	s1 =	sld [smem:$0x3FA6]  }
0x28: {  	s2 =	sld [smem:$0x3FA7]  }
0x29: {  	s4 =	sld [smem:$0x3FA9]  }
0x2a: {  	p0 =	seq.s32 s5, $0x0;
	s5 =	sld [smem:$0x3FAA]  }
0x2b: {  	s6 =	sld [smem:$0x3FAB]  }
0x2c: {  	s7 =	sld [smem:$0x3FAC]  }
0x2d: {  	s3 =	simm.s32 $0x108;
	s8 =	sld [smem:$0x3FAD]  }
0x2e: {  	s3 =	simm.s32 @!p0 $0x1082;
	s9 =	sld [smem:$0x3FAE]  }
0x2f: {  	lr =	sadd.s32 s0, s3;
	s0 =	sld [smem:$0x3FA5]  }
0x30: {  	s3 =	sld [smem:$0x3FA8]  }
0x31: {  	[smem:$0x3FB1] =	sst s10  }
0x32: {  	s10 =	sld [smem:$0x3FAF];
	_ =	sdelay $0x3  }
0x33: {  	p0 =	seq.s32 s10, $0x1;
	s10 =	sld [smem:$0x3FB1];
	_ =	sdelay $0x3  }
0x34: {  	[smem:$0x3FB1] =	sst s10  }
0x35: {  	s10 =	sld [smem:$0x3FB0];
	_ =	sdelay $0x3  }
0x36: {  	p1 =	seq.s32 s10, $0x1;
	s10 =	sld [smem:$0x3FB1];
	_ =	sdelay $0x3  }
0x37: {  	[smem:$0x3FB1] =	sst s10  }
0x38: {  	s10 =	sld [smem:$0x3FB2]  }
0x39: {  	_ = 	snop;
	(pc) =	sbr.ind lr, $3  }
0x3a: {  	_ = 	snop  }
0x3b: {  	_ = 	snop  }
0x3c: {  	p2 =	seq.s32 s10, $0x1;
	s10 =	sld [smem:$0x3FB1]  }
0x3d: {  	_ =	shalt  }
0x3e: {  	_ =	shalt  }
0x3f: {  	_ =	shalt  }
0x40: {  	_ =	shalt  }
0x41: {  	_ =	shalt  }
0x42: {  	_ =	shalt  }
0x43: {  	_ =	shalt  }
0x44: {  	_ =	shalt  }
0x45: {  	_ =	shalt  }
0x46: {  	_ =	shalt  }
0x47: {  	_ =	shalt  }
0x48: {  	_ =	shalt  }
0x49: {  	_ =	shalt  }
0x4a: {  	_ =	shalt  }
0x4b: {  	_ =	shalt  }
0x4c: {  	_ =	shalt  }
0x4d: {  	_ =	shalt  }
0x4e: {  	_ =	shalt  }
0x4f: {  	_ =	shalt  }
0x50: {  	_ =	shalt  }
0x51: {  	_ =	shalt  }
0x52: {  	_ =	shalt  }
0x53: {  	_ =	shalt  }
0x54: {  	_ =	shalt  }
0x55: {  	_ =	shalt  }
0x56: {  	_ =	shalt  }
0x57: {  	_ =	shalt  }
0x58: {  	_ =	shalt  }
0x59: {  	_ =	shalt  }
0x5a: {  	_ =	shalt  }
0x5b: {  	_ =	shalt  }
0x5c: {  	_ =	shalt  }
0x5d: {  	_ =	shalt  }
0x5e: {  	_ =	shalt  }
0x5f: {  	_ =	shalt  }
0x60: {  	_ =	shalt  }
0x61: {  	_ =	shalt  }
0x62: {  	_ =	shalt  }
0x63: {  	_ =	shalt  }
0x64: {  	_ =	shalt  }
0x65: {  	_ =	shalt  }
0x66: {  	_ =	shalt  }
0x67: {  	_ =	shalt  }
0x68: {  	_ =	shalt  }
0x69: {  	_ =	shalt  }
0x6a: {  	_ =	shalt  }
0x6b: {  	_ =	shalt  }
0x6c: {  	_ =	shalt  }
0x6d: {  	_ =	shalt  }
0x6e: {  	_ =	shalt  }
0x6f: {  	_ =	shalt  }
0x70: {  	_ =	shalt  }
0x71: {  	_ =	shalt  }
0x72: {  	_ =	shalt  }
0x73: {  	_ =	shalt  }
0x74: {  	_ =	shalt  }
0x75: {  	_ =	shalt  }
0x76: {  	_ =	shalt  }
0x77: {  	_ =	shalt  }
0x78: {  	_ =	shalt  }
0x79: {  	_ =	shalt  }
0x7a: {  	_ =	shalt  }
0x7b: {  	_ =	shalt  }
0x7c: {  	_ =	shalt  }
0x7d: {  	_ =	shalt  }
0x7e: {  	_ =	shalt  }
0x7f: {  	_ =	shalt  }
0x80: {  	_ =	shalt  }
0x81: {  	_ =	shalt  }
0x82: {  	_ =	shalt  }
0x83: {  	_ =	shalt  }
0x84: {  	_ =	shalt  }
0x85: {  	_ =	shalt  }
0x86: {  	_ =	shalt  }
0x87: {  	_ =	shalt  }
.Lfunc_end0:
.L_simem_size_0:
called_computation.3_lowered:
.L_overlay_start_0:
0x88: {  	s2 =	sld [smem:$0x3FD9]  }
0x89: {  	s3 =	sld [smem:$0x3FFE];
	_ =	sdelay $0x1  }
0x8a: {  	s1 =	srdreg.scid  }
0x8b: {  	s0 =	sand.u32 $0x1, s1  }
0x8c: {  	s16 =	sshll.u32 s0, $0xA;
	s2 =	sadd.s32 s3, s2  }
0x8d: {  	s2 =	sadd.s32 s2, s16  }
0x8e: {  	[smem:$0x3FBD] =	sst s2  }
0x8f: {  	_ = 	snop  }
0x90: {  	(tm) =	ssettm $0x1  }
0x91: {  	s17 =	sld [smem:$0x3FFB];
	_ =	sdelay $0x3  }
0x92: {  	_ =	strace s17  }
0x93: {  	s2 =	sld [smem:$0x3FFC];
	_ =	sdelay $0x3  }
0x94: {  	_ =	strace s2  }
0x95: {  	s2 =	sld [smem:$0x3FFD];
	_ =	sdelay $0x3  }
0x96: {  	_ =	strace s2  }
0x97: {  	_ =	strace $0x8FFFFFFF  }
0x98: {  	s18 =	sld [smem:$0x3FDB];
	_ =	sdelay $0x1  }
0x99: {  	s19 =	simm.s32 $_scs_section_size  }
0x9a: {  	s4 =	simm.s32 $_size__tile_overlayer_lowered;
	s5 =	simm.s32 $_tile_overlayer_lowered  }
0x9b: {  	s22 =	simm.s32 $0x1BFF;
	s21 =	sshll.u32 s5, $0x1;
	s2 =	sadd.s32 s19, s18  }
0x9c: {  	s6 =	simm.s32 $0x0;
	s20 =	sshll.u32 s4, $0x1;
	s4 =	sadd.s32 s21, s2  }
0x9d: {  	[timem:s6], [sflag:s22] =	dma.local [hbm:s4], s20  }
0x9e: {  	_ =	swait.ge [sflag:s22], s20  }
0x9f: {  	s3 =	ssub.s32 $0x0, s20;
	[sflag:s22] =	ssyncset.done $0x0  }
0xa0: {  	[sflag:s22] =	ssyncadd.s32 s3;
	_ =	sdelay $0x1  }
0xa1: {  	s23 =	simm.s32 $0x1B8B  }
0xa2: {  	_ =	swait.ge [sflag:s23], $0x1  }
0xa3: {  	[sflag:s23] =	ssyncset.done $0x0  }
0xa4: {  	s25 =	simm.s32 $0x1B8E;
	s24 =	sld [smem:$0x3FFE];
	[sflag:s23] =	ssyncadd.s32 $0xFFFFFFFF  }
0xa5: {  	s26 =	simm.s32 $execute0_lowered;
	[smem:$0x3FD2] =	sst s25  }
0xa6: {  	s4 =	sshll.u32 s26, $0x1;
	_ =	strace $0x8000004F;
	[dreg:$0x1] =	wrdreg $0xFFFFFFFF  }
0xa7: {  	s28 =	simm.s32 $_size_execute0_lowered;
	s2 =	sadd.s32 s2, s4;
	[dreg:$0x0] =	wrdreg $0x0  }
0xa8: {  	s4 =	sshll.u32 s28, $0x1;
	[dreg:$0x2] =	wrdreg s2  }
0xa9: {  	[dreg:$0x3] =	wrdreg s4  }
0xaa: {  	[dreg:$0x4] =	wrdreg $0xC0  }
0xab: {  	_ =	task [dreg:s6], $0x5FFFF  }
0xac: {  	[dreg:$0x1] =	wrdreg $0xFFFFFFFF  }
0xad: {  	[dreg:$0x0] =	wrdreg $0x60  }
0xae: {  	[dreg:$0x2] =	wrdreg s24  }
0xaf: {  	[dreg:$0x3] =	wrdreg $0x9  }
0xb0: {  	_ =	task.clear_ibuf [dreg:s6], $0x4FFFF;
	_ =	strace $0x9000004F  }
0xb1: {  	s29 =	simm.s32 $0x9;
	_ =	strace $0x80000051  }
0xb2: {  	_ =	swait.ge [sflag:s29], $0x1  }
0xb3: {  	[sflag:s29] =	ssyncadd.s32 $0xFFFFFFFF  }
0xb4: {  	_ =	strace $0x90000051  }
0xb5: {  	_ =	sfence  }
0xb6: {  	s30 =	sld [smem:$0x0];
	_ =	sdelay $0x2  }
0xb7: {  	s31 =	sshll.u32 s1, $0xD;
	s1 =	sshrl.u32 s1, $0x2  }
0xb8: {  	s3 =	sand.u32 $0x4000, s31;
	s1 =	sadd.s32 s1, s30  }
0xb9: {  	s0 =	sor.u32 s3, s0;
	s1 =	sshll.u32 s1, $0x11  }
0xba: {  	s0 =	sor.u32 s1, s0  }
0xbb: {  	s0 =	sadd.s32 $0x8F2B, s0  }
0xbc: {  	[sflag:s0] =	ssyncadd.remote.s32 $0x1  }
0xbd: {  	_ =	sfence.sel $0xFFFF  }
0xbe: {  	[dreg:$0x0] =	wrdreg $0xFFFFFFFF;
	(pc) =	sbr.abs _section_cstart, $3  }
0xbf: {  	[dreg:$0x1] =	wrdreg $0xFFFFFFFF  }
0xc0: {  	_ =	task.clear_ibuf [dreg:s6], $0x2FFFF;
	_ =	strace $0x9FFFFFFF  }
0xc1: {  	(tm) =	ssettm $0x7FFFFFFF  }
tec
execute0_lowered:
.L_overlay_start_1:
0x0: {  	(tag) =	ssettag $0x1  }
0x1: {  	s0 =	srdreg.scid;
	s5 =	rddreg [dreg:$0x0];
	s2 =	simm.s32 $0x0  }
0x2: {  	s14 =	simm.s32 $0x0;
	s4 =	sand.u32 $0x1, s0;
	s0 =	stileid.u32  }
0x3: {  	[smem:$0x7FF] =	sst s2;
	s1 =	sshll.u32 s4, $0x4;
	s11 =	smul.u32 $0xFFFFFEC0, s0  }
0x4: {  	s9 =	sshll.u32 s0, $0x4;
	s10 =	ssub.s32 $0x2, s4;
	s13 =	smul.u32 $0xFFFFEC00, s4  }
0x5: {  	s6 =	sor.u32 s0, s1;
	s1 =	rddreg [dreg:$0x1];
	_ =	strace $0x80000050  }
0x6: {  	s9 =	sand.u32 $0x70, s9;
	s12 =	sshrl.u32 s10, $0x1;
	s3 =	smul.u32 $0x1400, s6  }
0x7: {  	s7 =	smul.u32 $0x28, s6;
	s9 =	sadd.s32 s9, s5;
	s10 =	ssub.s32 s10, s12  }
0x8: {  	s29 =	sshll.u32 s6, $0xA;
	s30 =	sadd.s32 s13, s11;
	s11 =	simm.s32 $0xC000  }
0x9: {  	s12 =	simm.s32 $0x80;
	s13 =	simm.s32 $0x400;
	s6 =	sand.u32 $0x6000, s29  }
0xa: {  	v0 =	vlaneseq.u32;
	s31 =	sadd.s32 $0x2710, s30;
	s8 =	sadd.s32 s3, s5;
	s7 =	sadd.s32 s7, s5  }
0xb: {  	v1 =	vor.u32 $0x10, v0;
	s3 =	sadd.s32 $0x3A00, s5;
	s6 =	sadd.s32 s6, s9;
	s9 =	simm.s32 $0xA000  }
0xc: {  	v2 =	vor.u32 $0x20, v0;
	v3 =	vor.u32 $0x30, v0;
	v4 =	vor.u32 $0x40, v0;
	s4 =	sadd.s32 $0x10800, s8;
	s5 =	sadd.s32 $0x10200, s7;
	s6 =	sadd.s32 $0x3E00, s6  }
0xd: {  	v5 =	vor.u32 $0x50, v0;
	v6 =	vor.u32 $0x60, v0;
	v7 =	vor.u32 $0x70, v0;
	s7 =	smin.u32 s31, $0x140;
	s8 =	smax.u32 s10, $0x1;
	s10 =	simm.s32 $0x1  }
.LBB2_1:
0xe: {  	[tilespmem:s9], [sflag:$0x1] =	stream.linear.gather [hbm4b:s3+s2], $0x2000, $0x38;
	[tilespmem:$0xC180] =	vst v63  }
0xf: {  	_ =	swait.ge [sflag:s10], $0x2000  }
0x10: {  	[sflag:s10] =	ssyncset.done $0x0  }
0x11: {  	[sflag:s10] =	ssyncadd.s32 $0xFFFFE000  }
0x12: {  	[tilespmem:s2], [sflag:$0x1] =	stream.linear.gather [hbm4b:s4+s2], $0xA000, $0x38;
	[tilespmem:$0xC180] =	vst v63  }
0x13: {  	_ =	swait.ge [sflag:s10], $0xA000  }
0x14: {  	p1 =	sne.s32 s7, $0x1;
	[sflag:s10] =	ssyncset.done $0x0  }
.Ltmp0:
0x15: {  	[sflag:s10] =	ssyncadd.s32 $0xFFFF6000;
	(pc) =	sbr.rel @!p1 .LBB2_2-.Ltmp0, $4  }
0x16: {  	[tilespmem:s11], [sflag:$0x1] =	stream.linear.gather [hbm4b:s5+s2], $0x140, $0x38;
	[tilespmem:$0xC180] =	vst v63  }
0x17: {  	_ =	swait.ge [sflag:s10], $0x140  }
0x18: {  	s15 =	simm.s32 $0x40;
	[sflag:s10] =	ssyncset.done $0x0  }
0x19: {  	s16 =	simm.s32 $0x1;
	v9 =	vmov s2;
	p0 =	por $0x0, $0x0;
	[sflag:s10] =	ssyncadd.s32 $0xFFFFFEC0  }
0x1a: {  	_ =	sdelay $0x3  }
0x1b: {  	v8 =	vld.idx.msk [tilespmem:v9+s11+$0x0], $0xffff;
	_ =	sdelay $0x4  }
0x1c: {  	v8 =	vshll.u32 v8, $0x7  }
0x1d: {  	v9 =	vor.u32 v0, v8;
	_ =	sdelay $0x3  }
0x1e: {  	v11 =	vld [tilespmem:s15+$0xFFFFFFC0]  }
0x1f: {  	v10 =	vld.idx.msk [tilespmem:v9+s9+$0x0], $0xffff;
	_ =	sdelay $0x1  }
0x20: {  	v12 =	vor.u32 v1, v8;
	_ =	sdelay $0x2  }
0x21: {  	v10 =	vmax.f32 v10, v11  }
0x22: {  	[tilespmem:v9+s9+$0x0] =	vst.idx.msk $0xffff, v10  }
0x23: {  	v9 =	vld.idx.msk [tilespmem:v12+s9+$0x0], $0xffff  }
0x24: {  	v10 =	vld [tilespmem:s15+$0xFFFFFFD0];
	_ =	sdelay $0x1  }
0x25: {  	v11 =	vor.u32 v2, v8;
	_ =	sdelay $0x2  }
0x26: {  	v9 =	vmax.f32 v9, v10  }
0x27: {  	[tilespmem:v12+s9+$0x0] =	vst.idx.msk $0xffff, v9  }
0x28: {  	v9 =	vld.idx.msk [tilespmem:v11+s9+$0x0], $0xffff  }
0x29: {  	v10 =	vld [tilespmem:s15+$0xFFFFFFE0];
	_ =	sdelay $0x1  }
0x2a: {  	v62 =	vor.u32 v3, v8;
	_ =	sdelay $0x2  }
0x2b: {  	v9 =	vmax.f32 v9, v10  }
0x2c: {  	[tilespmem:v11+s9+$0x0] =	vst.idx.msk $0xffff, v9  }
0x2d: {  	v9 =	vld.idx.msk [tilespmem:v62+s9+$0x0], $0xffff  }
0x2e: {  	v10 =	vld [tilespmem:s15+$0xFFFFFFF0];
	_ =	sdelay $0x1  }
0x2f: {  	v11 =	vor.u32 v4, v8;
	_ =	sdelay $0x2  }
0x30: {  	v9 =	vmax.f32 v9, v10  }
0x31: {  	[tilespmem:v62+s9+$0x0] =	vst.idx.msk $0xffff, v9  }
0x32: {  	v9 =	vld.idx.msk [tilespmem:v11+s9+$0x0], $0xffff  }
0x33: {  	v10 =	vld [tilespmem:s15+$0x0];
	_ =	sdelay $0x1  }
0x34: {  	v63 =	vor.u32 v5, v8;
	_ =	sdelay $0x2  }
0x35: {  	v9 =	vmax.f32 v9, v10  }
0x36: {  	[tilespmem:v11+s9+$0x0] =	vst.idx.msk $0xffff, v9  }
0x37: {  	v9 =	vld.idx.msk [tilespmem:v63+s9+$0x0], $0xffff  }
0x38: {  	v10 =	vld [tilespmem:s15+$0x10];
	_ =	sdelay $0x1  }
0x39: {  	v11 =	vor.u32 v6, v8;
	_ =	sdelay $0x2  }
0x3a: {  	v9 =	vmax.f32 v9, v10  }
0x3b: {  	[tilespmem:v63+s9+$0x0] =	vst.idx.msk $0xffff, v9  }
0x3c: {  	v9 =	vld.idx.msk [tilespmem:v11+s9+$0x0], $0xffff  }
0x3d: {  	v10 =	vld [tilespmem:s15+$0x20];
	_ =	sdelay $0x1  }
0x3e: {  	v8 =	vor.u32 v7, v8;
	_ =	sdelay $0x2  }
0x3f: {  	v9 =	vmax.f32 v9, v10  }
0x40: {  	[tilespmem:v11+s9+$0x0] =	vst.idx.msk $0xffff, v9  }
0x41: {  	v10 =	vld.idx.msk [tilespmem:v8+s9+$0x0], $0xffff  }
0x42: {  	p1 =	sne.s32 s7, $0x2;
	v11 =	vld [tilespmem:s15+$0x30]  }
.Ltmp1:
0x43: {  	_ = 	snop;
	(pc) =	sbr.rel @!p1 .LBB2_4-.Ltmp1, $2  }
0x44: {  	v9 =	vmov s16;
	_ =	sdelay $0x2  }
0x45: {  	s17 =	simm.s32 $0x2;
	p0 =	por $0x1, $0x1;
	s16 =	simm.s32 $0x40;
	v10 =	vmax.f32 v10, v11  }
.LBB2_5:
0x46: {  	[tilespmem:v8+s9+$0x0] =	vst.idx.msk $0xffff, v10;
	s16 =	sadd.s32 $0x80, s16;
	s18 =	smov.u32 s17;
	s17 =	sadd.s32 $0x1, s17  }
0x47: {  	p1 =	sne.s32 s7, s17;
	v8 =	vld.idx.msk [tilespmem:v9+s11+$0x0], $0xffff;
	_ =	sdelay $0x5  }
0x48: {  	v8 =	vshll.u32 v8, $0x7  }
0x49: {  	v9 =	vor.u32 v0, v8;
	_ =	sdelay $0x4  }
0x4a: {  	v10 =	vld.idx.msk [tilespmem:v9+s9+$0x0], $0xffff  }
0x4b: {  	v11 =	vld [tilespmem:s16+$0xFFFFFFC0];
	_ =	sdelay $0x1  }
0x4c: {  	v12 =	vor.u32 v1, v8;
	_ =	sdelay $0x2  }
0x4d: {  	v10 =	vmax.f32 v10, v11  }
0x4e: {  	[tilespmem:v9+s9+$0x0] =	vst.idx.msk $0xffff, v10  }
0x4f: {  	v9 =	vld.idx.msk [tilespmem:v12+s9+$0x0], $0xffff  }
0x50: {  	v10 =	vld [tilespmem:s16+$0xFFFFFFD0];
	_ =	sdelay $0x1  }
0x51: {  	v11 =	vor.u32 v2, v8;
	_ =	sdelay $0x2  }
0x52: {  	v9 =	vmax.f32 v9, v10  }
0x53: {  	[tilespmem:v12+s9+$0x0] =	vst.idx.msk $0xffff, v9  }
0x54: {  	v9 =	vld.idx.msk [tilespmem:v11+s9+$0x0], $0xffff  }
0x55: {  	v10 =	vld [tilespmem:s16+$0xFFFFFFE0];
	_ =	sdelay $0x1  }
0x56: {  	v12 =	vor.u32 v3, v8;
	_ =	sdelay $0x2  }
0x57: {  	v9 =	vmax.f32 v9, v10  }
0x58: {  	[tilespmem:v11+s9+$0x0] =	vst.idx.msk $0xffff, v9  }
0x59: {  	v9 =	vld.idx.msk [tilespmem:v12+s9+$0x0], $0xffff  }
0x5a: {  	v10 =	vld [tilespmem:s16+$0xFFFFFFF0];
	_ =	sdelay $0x1  }
0x5b: {  	v11 =	vor.u32 v4, v8;
	_ =	sdelay $0x2  }
0x5c: {  	v9 =	vmax.f32 v9, v10  }
0x5d: {  	[tilespmem:v12+s9+$0x0] =	vst.idx.msk $0xffff, v9  }
0x5e: {  	v9 =	vld.idx.msk [tilespmem:v11+s9+$0x0], $0xffff  }
0x5f: {  	v10 =	vld [tilespmem:s16+$0x0];
	_ =	sdelay $0x1  }
0x60: {  	v12 =	vor.u32 v5, v8;
	_ =	sdelay $0x2  }
0x61: {  	v9 =	vmax.f32 v9, v10  }
0x62: {  	[tilespmem:v11+s9+$0x0] =	vst.idx.msk $0xffff, v9  }
0x63: {  	v9 =	vld.idx.msk [tilespmem:v12+s9+$0x0], $0xffff  }
0x64: {  	v10 =	vld [tilespmem:s16+$0x10];
	_ =	sdelay $0x1  }
0x65: {  	v11 =	vor.u32 v6, v8;
	_ =	sdelay $0x2  }
0x66: {  	v9 =	vmax.f32 v9, v10  }
0x67: {  	[tilespmem:v12+s9+$0x0] =	vst.idx.msk $0xffff, v9  }
0x68: {  	v9 =	vld.idx.msk [tilespmem:v11+s9+$0x0], $0xffff  }
0x69: {  	v10 =	vld [tilespmem:s16+$0x20];
	_ =	sdelay $0x1  }
0x6a: {  	v8 =	vor.u32 v7, v8;
	_ =	sdelay $0x2  }
0x6b: {  	v9 =	vmax.f32 v9, v10  }
0x6c: {  	[tilespmem:v11+s9+$0x0] =	vst.idx.msk $0xffff, v9  }
0x6d: {  	v10 =	vld.idx.msk [tilespmem:v8+s9+$0x0], $0xffff  }
0x6e: {  	v11 =	vld [tilespmem:s16+$0x30]  }
.Ltmp2:
0x6f: {  	(pc) =	sbr.rel @p1 .LBB2_5-.Ltmp2, $2  }
0x70: {  	v9 =	vmov s18;
	_ =	sdelay $0x2  }
0x71: {  	v10 =	vmax.f32 v10, v11  }
.LBB2_6:
0x72: {  	_ =	sdelay $0x3  }
0x73: {  	[tilespmem:v8+s9+$0x0] =	vst.idx.msk @p0 $0xffff, v10  }
0x74: {  	v8 =	vld.idx.msk [tilespmem:v9+s11+$0x0], $0xffff;
	_ =	sdelay $0x4  }
0x75: {  	v8 =	vshll.u32 v8, $0x7  }
0x76: {  	v52 =	vor.u32 v0, v8;
	_ =	sdelay $0x1  }
0x77: {  	s16 =	sadd.s32 @p0 $0x80, s16  }
0x78: {  	s15 =	smov.u32 @p0 s16  }
0x79: {  	v11 =	vld [tilespmem:s15+$0xFFFFFFC0]  }
0x7a: {  	v10 =	vld.idx.msk [tilespmem:v52+s9+$0x0], $0xffff;
	_ =	sdelay $0x1  }
0x7b: {  	v12 =	vor.u32 v1, v8;
	_ =	sdelay $0x2  }
0x7c: {  	v10 =	vmax.f32 v10, v11  }
0x7d: {  	[tilespmem:v52+s9+$0x0] =	vst.idx.msk $0xffff, v10  }
0x7e: {  	v9 =	vld.idx.msk [tilespmem:v12+s9+$0x0], $0xffff  }
0x7f: {  	v10 =	vld [tilespmem:s15+$0xFFFFFFD0];
	_ =	sdelay $0x1  }
0x80: {  	v53 =	vor.u32 v2, v8;
	_ =	sdelay $0x2  }
0x81: {  	v9 =	vmax.f32 v9, v10  }
0x82: {  	[tilespmem:v12+s9+$0x0] =	vst.idx.msk $0xffff, v9  }
0x83: {  	v9 =	vld.idx.msk [tilespmem:v53+s9+$0x0], $0xffff  }
0x84: {  	v54 =	vld [tilespmem:s15+$0xFFFFFFE0];
	_ =	sdelay $0x1  }
0x85: {  	v55 =	vor.u32 v3, v8;
	_ =	sdelay $0x2  }
0x86: {  	v9 =	vmax.f32 v9, v54  }
0x87: {  	[tilespmem:v53+s9+$0x0] =	vst.idx.msk $0xffff, v9  }
0x88: {  	v9 =	vld.idx.msk [tilespmem:v55+s9+$0x0], $0xffff  }
0x89: {  	v56 =	vld [tilespmem:s15+$0xFFFFFFF0];
	_ =	sdelay $0x1  }
0x8a: {  	v57 =	vor.u32 v4, v8;
	_ =	sdelay $0x2  }
0x8b: {  	v9 =	vmax.f32 v9, v56  }
0x8c: {  	[tilespmem:v55+s9+$0x0] =	vst.idx.msk $0xffff, v9  }
0x8d: {  	v9 =	vld.idx.msk [tilespmem:v57+s9+$0x0], $0xffff  }
0x8e: {  	v58 =	vld [tilespmem:s15+$0x0];
	_ =	sdelay $0x1  }
0x8f: {  	v59 =	vor.u32 v5, v8;
	_ =	sdelay $0x2  }
0x90: {  	v9 =	vmax.f32 v9, v58  }
0x91: {  	[tilespmem:v57+s9+$0x0] =	vst.idx.msk $0xffff, v9  }
0x92: {  	v9 =	vld.idx.msk [tilespmem:v59+s9+$0x0], $0xffff  }
0x93: {  	v60 =	vld [tilespmem:s15+$0x10];
	_ =	sdelay $0x1  }
0x94: {  	v61 =	vor.u32 v6, v8;
	_ =	sdelay $0x2  }
0x95: {  	v9 =	vmax.f32 v9, v60  }
0x96: {  	[tilespmem:v59+s9+$0x0] =	vst.idx.msk $0xffff, v9  }
0x97: {  	v9 =	vld.idx.msk [tilespmem:v61+s9+$0x0], $0xffff  }
0x98: {  	v62 =	vld [tilespmem:s15+$0x20];
	_ =	sdelay $0x1  }
0x99: {  	v8 =	vor.u32 v7, v8;
	_ =	sdelay $0x2  }
0x9a: {  	v9 =	vmax.f32 v9, v62  }
0x9b: {  	[tilespmem:v61+s9+$0x0] =	vst.idx.msk $0xffff, v9  }
0x9c: {  	v9 =	vld.idx.msk [tilespmem:v8+s9+$0x0], $0xffff  }
0x9d: {  	v63 =	vld [tilespmem:s15+$0x30];
	_ =	sdelay $0x4  }
0x9e: {  	s14 =	sadd.s32 $0x1, s14;
	v9 =	vmax.f32 v9, v63  }
0x9f: {  	p0 =	sne.s32 s14, s8;
	[tilespmem:v8+s9+$0x0] =	vst.idx.msk $0xffff, v9  }
0xa0: {  	[hbm4b:s6+s12] =	stream.strided.scatter [tilespmem:s9], [sflag:$0x1], $0x2000, s13, s12, $0x38;
	[tilespmem:$0xC180] =	vst v63  }
.Ltmp3:
0xa1: {  	_ = 	snop;
	(pc) =	sbr.rel @p0 .LBB2_1-.Ltmp3, $4  }
.Ltmp4:
0xa2: {  	_ = 	snop;
	(pc) =	sbr.rel @!p0 .LBB2_7-.Ltmp4, $4  }
0xa3: {  	_ =	swait.ge [sflag:s10], $0x2000  }
0xa4: {  	[sflag:s10] =	ssyncset.done $0x0  }
0xa5: {  	[sflag:s10] =	ssyncadd.s32 $0xFFFFE000  }
0xa6: {  	_ = 	snop  }
.LBB2_2:
.Ltmp5:
0xa7: {  	(pc) =	sbr.rel .LBB2_6-.Ltmp5, $2  }
0xa8: {  	_ =	sdelay $0x2  }
0xa9: {  	s16 =	simm.s32 $0x40  }
.LBB2_4:
.Ltmp6:
0xaa: {  	(pc) =	sbr.rel .LBB2_6-.Ltmp6, $2  }
0xab: {  	_ =	sdelay $0x2  }
0xac: {  	s16 =	simm.s32 $0x40  }
.LBB2_7:
0xad: {  	_ =	sfence.sel $0x180000  }
0xae: {  	[bflag:$0x0] =	sbarrier.arrive $0xFFFF  }
0xaf: {  	p0 =	sne.s32 s0, $0x0;
	_ =	strace $0x90000050  }
0xb0: {  	s0 =	sadd.s32 @!p0 $0x100000, s1;
	[bflag:$0x2] =	sbarrier.arrive $0xFFFF  }
0xb1: {  	[sflag:s0] =	ssyncadd.tile.s32 @!p0 $0x1;
	_ =	shalt  }
.Lfunc_end2:
_tile_overlayer_lowered:
.L_overlay_start_2:
0xb2: {  	(tag) =	ssettag $0x2  }
0xb3: {  	s0 =	rddreg [dreg:$0x0];
	s2 =	stileid.u32  }
0xb4: {  	s1 =	rddreg [dreg:$0x1];
	p0 =	sne.s32 s2, $0x0  }
0xb5: {  	s3 =	rddreg [dreg:$0x2];
	[bflag:$0x3] =	sbarrier.arrive $0xFFFF;
	s2 =	simm.s32 @!p0 $0x1C01  }
0xb6: {  	[timem:s3], [sflag:s2] =	dma.local @!p0 [hbm:s0], s1  }
0xb7: {  	s0 =	simm.s32 @!p0 $0x1  }
0xb8: {  	_ =	swait.ge @!p0 [sflag:s0], s1  }
0xb9: {  	s1 =	ssub.s32 @!p0 $0x0, s1;
	[sflag:s0] =	ssyncset.done @!p0 $0x0  }
0xba: {  	[sflag:s0] =	ssyncadd.s32 @!p0 s1  }
0xbb: {  	[bflag:$0x3] =	sbarrier.arrive $0xFFFF  }
0xbc: {  	_ =	shalt  }

</sc_bundles>
